<compile_context>
chip_gen: v7x
topology: tpu7x:2x2x1
jax: 0.10.2.dev20260603
libtpu: 0.0.44.dev20260713+nightly
codegen_flags: <defaults>
</compile_context>

<pallas_src>
import jax
import jax.numpy as jnp
from jax import lax
from jax.experimental import pallas as pl
from jax.experimental.pallas import tpu as pltpu
from jax.experimental.pallas import tpu_sc as plsc

BATCH = 4096
SEQ = 200
NUM_EMB = 1000000
EMBEDDING_DIM = 64
PAD_DIM = 128
LANES = 16
NUM_INDICES = BATCH * SEQ
NUM_CORES = 2
NUM_SUBCORES = 16
NUM_WORKERS = NUM_CORES * NUM_SUBCORES
PER_WORKER = NUM_INDICES // NUM_WORKERS
CHUNK = 128
NBUF = 5
HBUF = 2
ROUNDS = PER_WORKER // (CHUNK * NBUF)


def kernel(token_ids, embedding):
    flat_ids = token_ids.reshape(NUM_INDICES)
    table128 = jnp.pad(embedding, ((0, 0), (0, PAD_DIM - EMBEDDING_DIM)))

    mesh = plsc.VectorSubcoreMesh(core_axis_name="c", subcore_axis_name="s")

    @pl.kernel(
        out_type=jax.ShapeDtypeStruct((NUM_INDICES, EMBEDDING_DIM), embedding.dtype),
        mesh=mesh,
        scratch_types=[
            pltpu.VMEM((NBUF, CHUNK), jnp.int32),
            pltpu.VMEM((NBUF, CHUNK, PAD_DIM), jnp.float32),
            pltpu.VMEM((HBUF, CHUNK, EMBEDDING_DIM), jnp.float32),
            pltpu.SemaphoreType.DMA((NBUF,)),
            pltpu.SemaphoreType.DMA((NBUF,)),
            pltpu.SemaphoreType.DMA((HBUF,)),
        ],
    )
    def gather_kernel(
        table_hbm, idx_hbm, out_hbm, idx_v, rows_v, half_v, sem_i, sem_g, sem_o
    ):
        wid = lax.axis_index("s") * NUM_CORES + lax.axis_index("c")
        base = wid * PER_WORKER

        for b in range(NBUF):
            pltpu.async_copy(
                idx_hbm.at[pl.ds(base + b * CHUNK, CHUNK)], idx_v.at[b], sem_i.at[b]
            )

        @pl.loop(0, ROUNDS)
        def _(r):
            g0 = base + r * (NBUF * CHUNK)

            for b in range(NBUF):
                pltpu.make_async_copy(
                    idx_hbm.at[pl.ds(g0 + b * CHUNK, CHUNK)],
                    idx_v.at[b],
                    sem_i.at[b],
                ).wait()
                pltpu.async_copy(
                    table_hbm.at[idx_v.at[b]], rows_v.at[b], sem_g.at[b]
                )

            for b in range(NBUF):
                start = g0 + b * CHUNK
                h = b % HBUF
                pltpu.make_async_copy(
                    table_hbm.at[idx_v.at[b]], rows_v.at[b], sem_g.at[b]
                ).wait()

                def drain():
                    pltpu.make_async_copy(
                        half_v.at[h],
                        out_hbm.at[pl.ds(base, CHUNK)],
                        sem_o.at[h],
                    ).wait()

                if b >= HBUF:
                    drain()
                else:
                    pl.when(r > 0)(drain)

                @pl.loop(0, CHUNK)
                def _(j):
                    for c in range(0, EMBEDDING_DIM, LANES):
                        half_v[h, j, pl.ds(c, LANES)] = rows_v[b, j, pl.ds(c, LANES)]

                pltpu.async_copy(
                    half_v.at[h], out_hbm.at[pl.ds(start, CHUNK)], sem_o.at[h]
                )

                @pl.when(r + 1 < ROUNDS)
                def _():
                    pltpu.async_copy(
                        idx_hbm.at[pl.ds(g0 + (NBUF + b) * CHUNK, CHUNK)],
                        idx_v.at[b],
                        sem_i.at[b],
                    )

        for h in range(HBUF):
            pltpu.make_async_copy(
                half_v.at[h], out_hbm.at[pl.ds(base, CHUNK)], sem_o.at[h]
            ).wait()

    out = gather_kernel(table128, flat_ids)
    return out.reshape(BATCH, SEQ, EMBEDDING_DIM)

# --- scband reference (transcript-rebuilt; emitter-appended) ---
"""Pipeline reference for scband-embedding-63771674411043 (READ-ONLY COPY).

The authoritative reference and input builder live on the scoring server;
editing this copy changes nothing except your own understanding.
"""

import jax, jax.numpy as jnp
import numpy as np

NUM_EMBEDDINGS = 1000000
EMBEDDING_DIM = 64
BATCH = 4096
SEQ = 200


def setup_inputs(seed: int = 0) -> dict:
    key = jax.random.key(seed)
    k_idx, k_tab = jax.random.split(key)
    token_ids = jax.random.randint(k_idx, (BATCH, SEQ), 0, NUM_EMBEDDINGS, dtype=jnp.int64 if jax.config.jax_enable_x64 else jnp.int32)
    # trunc_normal_(mean=0, std=1, a=-3, b=3) approximated via truncated normal
    embedding = jax.random.truncated_normal(k_tab, -3.0, 3.0, (NUM_EMBEDDINGS, EMBEDDING_DIM), dtype=jnp.float32)
    return {"token_ids": token_ids, "embedding": embedding}


def reference(token_ids, embedding):
    # Faithful translation of: return self.embedding[token_ids]
    return jnp.take(embedding, token_ids, axis=0)

if __name__ == "__main__":
    import jax
    _d = setup_inputs()
    print(jax.jit(kernel)(*tuple(_d.values())))

</pallas_src>

<mosaic_0001>
#map = affine_map<(d0, d1) -> (0, 0)>
#map1 = affine_map<(d0, d1) -> (0)>
module attributes {stable_mosaic.version = 14 : i64} {
  func.func @gather_kernel(%arg0: i32, %arg1: i32, %arg2: memref<1000000x128xf32, #tpu.memory_space<hbm>>, %arg3: memref<819200xi32, #tpu.memory_space<hbm>>, %arg4: memref<819200x64xf32, #tpu.memory_space<hbm>>, %arg5: memref<5x128xi32, #tpu.memory_space<vmem>>, %arg6: memref<5x128x128xf32, #tpu.memory_space<vmem>>, %arg7: memref<2x128x64xf32, #tpu.memory_space<vmem>>, %arg8: memref<5x!tpu.dma_semaphore, #tpu.memory_space<semaphore_mem>>, %arg9: memref<5x!tpu.dma_semaphore, #tpu.memory_space<semaphore_mem>>, %arg10: memref<2x!tpu.dma_semaphore, #tpu.memory_space<semaphore_mem>>) attributes {dimension_semantics = [#tpu.dimension_semantics<core_parallel>, #tpu.dimension_semantics<subcore_parallel>], iteration_bounds = array<i64: 2, 16>, scalar_prefetch = 0 : i64, scratch_operands = 6 : i64, tpu.core_type = #tpu.core_type<sc_vector_subcore>, window_params = [{transform_indices = #map}, {transform_indices = #map1}, {transform_indices = #map}]} {
    %mul3A = arith.constant 2 : i32
    %mul3A_0 = arith.muli %arg1, %mul3A : i32
    %add3A = arith.addi %mul3A_0, %arg0 : i32
    %mul3A_1 = arith.constant 25600 : i32
    %mul3A_2 = arith.muli %add3A, %mul3A_1 : i32
    %add3A_3 = arith.constant 0 : i32
    %add3A_4 = arith.addi %mul3A_2, %add3A_3 : i32
    %dma_start3A = arith.constant 0 : i32
    %dma_start3A_5 = arith.constant 0 : i32
    %dma_start3A_6 = arith.constant 0 : i32
    %dma_start3A_7 = tpu.memref_slice %arg5[%dma_start3A, %dma_start3A_6] : memref<5x128xi32, #tpu.memory_space<vmem>> -> memref<1x128xi32, #tpu.memory_space<vmem>>
    %dma_start3A_8 = tpu.memref_squeeze %dma_start3A_7 : memref<1x128xi32, #tpu.memory_space<vmem>> -> memref<128xi32, #tpu.memory_space<vmem>>
    %dma_start3A_9 = tpu.memref_slice %arg3[%add3A_4] : memref<819200xi32, #tpu.memory_space<hbm>> -> memref<128xi32, #tpu.memory_space<hbm>>
    %dma_start3A_10 = tpu.memref_slice %arg8[%dma_start3A_5] : memref<5x!tpu.dma_semaphore, #tpu.memory_space<semaphore_mem>> -> memref<1x!tpu.dma_semaphore, #tpu.memory_space<semaphore_mem>>
    %dma_start3A_11 = tpu.memref_squeeze %dma_start3A_10 : memref<1x!tpu.dma_semaphore, #tpu.memory_space<semaphore_mem>> -> memref<!tpu.dma_semaphore, #tpu.memory_space<semaphore_mem>>
    %dma_start3A_12 = arith.constant 0 : i32
    %dma_start3A_13 = tpu.memref_slice %arg5[%dma_start3A, %dma_start3A_12] : memref<5x128xi32, #tpu.memory_space<vmem>> -> memref<1x128xi32, #tpu.memory_space<vmem>>
    %dma_start3A_14 = tpu.memref_squeeze %dma_start3A_13 : memref<1x128xi32, #tpu.memory_space<vmem>> -> memref<128xi32, #tpu.memory_space<vmem>>
    %dma_start3A_15 = tpu.memref_slice %arg3[%add3A_4] : memref<819200xi32, #tpu.memory_space<hbm>> -> memref<128xi32, #tpu.memory_space<hbm>>
    tpu.enqueue_dma source(%dma_start3A_15 : memref<128xi32, #tpu.memory_space<hbm>>) target(%dma_start3A_14 : memref<128xi32, #tpu.memory_space<vmem>>) target_semaphore(%dma_start3A_11 : memref<!tpu.dma_semaphore, #tpu.memory_space<semaphore_mem>>)
    %add3A_16 = arith.constant 128 : i32
    %add3A_17 = arith.addi %mul3A_2, %add3A_16 : i32
    %dma_start3A_18 = arith.constant 1 : i32
    %dma_start3A_19 = arith.constant 1 : i32
    %dma_start3A_20 = arith.constant 0 : i32
    %dma_start3A_21 = tpu.memref_slice %arg5[%dma_start3A_18, %dma_start3A_20] : memref<5x128xi32, #tpu.memory_space<vmem>> -> memref<1x128xi32, #tpu.memory_space<vmem>>
    %dma_start3A_22 = tpu.memref_squeeze %dma_start3A_21 : memref<1x128xi32, #tpu.memory_space<vmem>> -> memref<128xi32, #tpu.memory_space<vmem>>
    %dma_start3A_23 = tpu.memref_slice %arg3[%add3A_17] : memref<819200xi32, #tpu.memory_space<hbm>> -> memref<128xi32, #tpu.memory_space<hbm>>
    %dma_start3A_24 = tpu.memref_slice %arg8[%dma_start3A_19] : memref<5x!tpu.dma_semaphore, #tpu.memory_space<semaphore_mem>> -> memref<1x!tpu.dma_semaphore, #tpu.memory_space<semaphore_mem>>
    %dma_start3A_25 = tpu.memref_squeeze %dma_start3A_24 : memref<1x!tpu.dma_semaphore, #tpu.memory_space<semaphore_mem>> -> memref<!tpu.dma_semaphore, #tpu.memory_space<semaphore_mem>>
    %dma_start3A_26 = arith.constant 0 : i32
    %dma_start3A_27 = tpu.memref_slice %arg5[%dma_start3A_18, %dma_start3A_26] : memref<5x128xi32, #tpu.memory_space<vmem>> -> memref<1x128xi32, #tpu.memory_space<vmem>>
    %dma_start3A_28 = tpu.memref_squeeze %dma_start3A_27 : memref<1x128xi32, #tpu.memory_space<vmem>> -> memref<128xi32, #tpu.memory_space<vmem>>
    %dma_start3A_29 = tpu.memref_slice %arg3[%add3A_17] : memref<819200xi32, #tpu.memory_space<hbm>> -> memref<128xi32, #tpu.memory_space<hbm>>
    tpu.enqueue_dma source(%dma_start3A_29 : memref<128xi32, #tpu.memory_space<hbm>>) target(%dma_start3A_28 : memref<128xi32, #tpu.memory_space<vmem>>) target_semaphore(%dma_start3A_25 : memref<!tpu.dma_semaphore, #tpu.memory_space<semaphore_mem>>)
    %add3A_30 = arith.constant 256 : i32
    %add3A_31 = arith.addi %mul3A_2, %add3A_30 : i32
    %dma_start3A_32 = arith.constant 2 : i32
    %dma_start3A_33 = arith.constant 2 : i32
    %dma_start3A_34 = arith.constant 0 : i32
    %dma_start3A_35 = tpu.memref_slice %arg5[%dma_start3A_32, %dma_start3A_34] : memref<5x128xi32, #tpu.memory_space<vmem>> -> memref<1x128xi32, #tpu.memory_space<vmem>>
    %dma_start3A_36 = tpu.memref_squeeze %dma_start3A_35 : memref<1x128xi32, #tpu.memory_space<vmem>> -> memref<128xi32, #tpu.memory_space<vmem>>
    %dma_start3A_37 = tpu.memref_slice %arg3[%add3A_31] : memref<819200xi32, #tpu.memory_space<hbm>> -> memref<128xi32, #tpu.memory_space<hbm>>
    %dma_start3A_38 = tpu.memref_slice %arg8[%dma_start3A_33] : memref<5x!tpu.dma_semaphore, #tpu.memory_space<semaphore_mem>> -> memref<1x!tpu.dma_semaphore, #tpu.memory_space<semaphore_mem>>
    %dma_start3A_39 = tpu.memref_squeeze %dma_start3A_38 : memref<1x!tpu.dma_semaphore, #tpu.memory_space<semaphore_mem>> -> memref<!tpu.dma_semaphore, #tpu.memory_space<semaphore_mem>>
    %dma_start3A_40 = arith.constant 0 : i32
    %dma_start3A_41 = tpu.memref_slice %arg5[%dma_start3A_32, %dma_start3A_40] : memref<5x128xi32, #tpu.memory_space<vmem>> -> memref<1x128xi32, #tpu.memory_space<vmem>>
    %dma_start3A_42 = tpu.memref_squeeze %dma_start3A_41 : memref<1x128xi32, #tpu.memory_space<vmem>> -> memref<128xi32, #tpu.memory_space<vmem>>
    %dma_start3A_43 = tpu.memref_slice %arg3[%add3A_31] : memref<819200xi32, #tpu.memory_space<hbm>> -> memref<128xi32, #tpu.memory_space<hbm>>
    tpu.enqueue_dma source(%dma_start3A_43 : memref<128xi32, #tpu.memory_space<hbm>>) target(%dma_start3A_42 : memref<128xi32, #tpu.memory_space<vmem>>) target_semaphore(%dma_start3A_39 : memref<!tpu.dma_semaphore, #tpu.memory_space<semaphore_mem>>)
    %add3A_44 = arith.constant 384 : i32
    %add3A_45 = arith.addi %mul3A_2, %add3A_44 : i32
    %dma_start3A_46 = arith.constant 3 : i32
    %dma_start3A_47 = arith.constant 3 : i32
    %dma_start3A_48 = arith.constant 0 : i32
    %dma_start3A_49 = tpu.memref_slice %arg5[%dma_start3A_46, %dma_start3A_48] : memref<5x128xi32, #tpu.memory_space<vmem>> -> memref<1x128xi32, #tpu.memory_space<vmem>>
    %dma_start3A_50 = tpu.memref_squeeze %dma_start3A_49 : memref<1x128xi32, #tpu.memory_space<vmem>> -> memref<128xi32, #tpu.memory_space<vmem>>
    %dma_start3A_51 = tpu.memref_slice %arg3[%add3A_45] : memref<819200xi32, #tpu.memory_space<hbm>> -> memref<128xi32, #tpu.memory_space<hbm>>
    %dma_start3A_52 = tpu.memref_slice %arg8[%dma_start3A_47] : memref<5x!tpu.dma_semaphore, #tpu.memory_space<semaphore_mem>> -> memref<1x!tpu.dma_semaphore, #tpu.memory_space<semaphore_mem>>
    %dma_start3A_53 = tpu.memref_squeeze %dma_start3A_52 : memref<1x!tpu.dma_semaphore, #tpu.memory_space<semaphore_mem>> -> memref<!tpu.dma_semaphore, #tpu.memory_space<semaphore_mem>>
    %dma_start3A_54 = arith.constant 0 : i32
    %dma_start3A_55 = tpu.memref_slice %arg5[%dma_start3A_46, %dma_start3A_54] : memref<5x128xi32, #tpu.memory_space<vmem>> -> memref<1x128xi32, #tpu.memory_space<vmem>>
    %dma_start3A_56 = tpu.memref_squeeze %dma_start3A_55 : memref<1x128xi32, #tpu.memory_space<vmem>> -> memref<128xi32, #tpu.memory_space<vmem>>
    %dma_start3A_57 = tpu.memref_slice %arg3[%add3A_45] : memref<819200xi32, #tpu.memory_space<hbm>> -> memref<128xi32, #tpu.memory_space<hbm>>
    tpu.enqueue_dma source(%dma_start3A_57 : memref<128xi32, #tpu.memory_space<hbm>>) target(%dma_start3A_56 : memref<128xi32, #tpu.memory_space<vmem>>) target_semaphore(%dma_start3A_53 : memref<!tpu.dma_semaphore, #tpu.memory_space<semaphore_mem>>)
    %add3A_58 = arith.constant 512 : i32
    %add3A_59 = arith.addi %mul3A_2, %add3A_58 : i32
    %dma_start3A_60 = arith.constant 4 : i32
    %dma_start3A_61 = arith.constant 4 : i32
    %dma_start3A_62 = arith.constant 0 : i32
    %dma_start3A_63 = tpu.memref_slice %arg5[%dma_start3A_60, %dma_start3A_62] : memref<5x128xi32, #tpu.memory_space<vmem>> -> memref<1x128xi32, #tpu.memory_space<vmem>>
    %dma_start3A_64 = tpu.memref_squeeze %dma_start3A_63 : memref<1x128xi32, #tpu.memory_space<vmem>> -> memref<128xi32, #tpu.memory_space<vmem>>
    %dma_start3A_65 = tpu.memref_slice %arg3[%add3A_59] : memref<819200xi32, #tpu.memory_space<hbm>> -> memref<128xi32, #tpu.memory_space<hbm>>
    %dma_start3A_66 = tpu.memref_slice %arg8[%dma_start3A_61] : memref<5x!tpu.dma_semaphore, #tpu.memory_space<semaphore_mem>> -> memref<1x!tpu.dma_semaphore, #tpu.memory_space<semaphore_mem>>
    %dma_start3A_67 = tpu.memref_squeeze %dma_start3A_66 : memref<1x!tpu.dma_semaphore, #tpu.memory_space<semaphore_mem>> -> memref<!tpu.dma_semaphore, #tpu.memory_space<semaphore_mem>>
    %dma_start3A_68 = arith.constant 0 : i32
    %dma_start3A_69 = tpu.memref_slice %arg5[%dma_start3A_60, %dma_start3A_68] : memref<5x128xi32, #tpu.memory_space<vmem>> -> memref<1x128xi32, #tpu.memory_space<vmem>>
    %dma_start3A_70 = tpu.memref_squeeze %dma_start3A_69 : memref<1x128xi32, #tpu.memory_space<vmem>> -> memref<128xi32, #tpu.memory_space<vmem>>
    %dma_start3A_71 = tpu.memref_slice %arg3[%add3A_59] : memref<819200xi32, #tpu.memory_space<hbm>> -> memref<128xi32, #tpu.memory_space<hbm>>
    tpu.enqueue_dma source(%dma_start3A_71 : memref<128xi32, #tpu.memory_space<hbm>>) target(%dma_start3A_70 : memref<128xi32, #tpu.memory_space<vmem>>) target_semaphore(%dma_start3A_67 : memref<!tpu.dma_semaphore, #tpu.memory_space<semaphore_mem>>)
    %scan3A = arith.constant 0 : i32
    %scan3A_72 = arith.constant 40 : i32
    %scan3A_73 = arith.addi %scan3A, %scan3A_72 : i32
    %scan3A_74 = arith.constant 1 : i32
    scf.for %scan3A_107 = %scan3A to %scan3A_73 step %scan3A_74  : i32 {
      %mul3A_108 = arith.constant 1 : i32
      %mul3A_109 = arith.muli %scan3A_107, %mul3A_108 : i32
      %add3A_110 = arith.constant 0 : i32
      %add3A_111 = arith.addi %add3A_110, %mul3A_109 : i32
      %mul3A_112 = arith.constant 640 : i32
      %mul3A_113 = arith.muli %add3A_111, %mul3A_112 : i32
      %add3A_114 = arith.addi %mul3A_2, %mul3A_113 : i32
      %add3A_115 = arith.constant 0 : i32
      %add3A_116 = arith.addi %add3A_114, %add3A_115 : i32
      %dma_wait3A_117 = arith.constant 0 : i32
      %dma_wait3A_118 = arith.constant 0 : i32
      %dma_wait3A_119 = arith.constant 0 : i32
      %dma_wait3A_120 = tpu.memref_slice %arg5[%dma_wait3A_117, %dma_wait3A_119] : memref<5x128xi32, #tpu.memory_space<vmem>> -> memref<1x128xi32, #tpu.memory_space<vmem>>
      %dma_wait3A_121 = tpu.memref_squeeze %dma_wait3A_120 : memref<1x128xi32, #tpu.memory_space<vmem>> -> memref<128xi32, #tpu.memory_space<vmem>>
      %dma_wait3A_122 = tpu.memref_slice %arg3[%add3A_116] : memref<819200xi32, #tpu.memory_space<hbm>> -> memref<128xi32, #tpu.memory_space<hbm>>
      %dma_wait3A_123 = tpu.memref_slice %arg8[%dma_wait3A_118] : memref<5x!tpu.dma_semaphore, #tpu.memory_space<semaphore_mem>> -> memref<1x!tpu.dma_semaphore, #tpu.memory_space<semaphore_mem>>
      %dma_wait3A_124 = tpu.memref_squeeze %dma_wait3A_123 : memref<1x!tpu.dma_semaphore, #tpu.memory_space<semaphore_mem>> -> memref<!tpu.dma_semaphore, #tpu.memory_space<semaphore_mem>>
      %dma_wait3A_125 = arith.constant 0 : i32
      %dma_wait3A_126 = tpu.memref_slice %arg5[%dma_wait3A_117, %dma_wait3A_125] : memref<5x128xi32, #tpu.memory_space<vmem>> -> memref<1x128xi32, #tpu.memory_space<vmem>>
      %dma_wait3A_127 = tpu.memref_squeeze %dma_wait3A_126 : memref<1x128xi32, #tpu.memory_space<vmem>> -> memref<128xi32, #tpu.memory_space<vmem>>
      %dma_wait3A_128 = tpu.memref_slice %arg3[%add3A_116] : memref<819200xi32, #tpu.memory_space<hbm>> -> memref<128xi32, #tpu.memory_space<hbm>>
      tpu.wait_dma2 semaphore(%dma_wait3A_124 : memref<!tpu.dma_semaphore, #tpu.memory_space<semaphore_mem>>) src(%dma_wait3A_128 : memref<128xi32, #tpu.memory_space<hbm>>) dst(%dma_wait3A_127 : memref<128xi32, #tpu.memory_space<vmem>>)
      %dma_start3A_129 = arith.constant 0 : i32
      %dma_start3A_130 = arith.constant 0 : i32
      %dma_start3A_131 = arith.constant 0 : i32
      %dma_start3A_132 = arith.constant 0 : i32
      %dma_start3A_133 = arith.constant 0 : i32
      %dma_start3A_134 = tpu.memref_slice %arg6[%dma_start3A_130, %dma_start3A_132, %dma_start3A_133] : memref<5x128x128xf32, #tpu.memory_space<vmem>> -> memref<1x128x128xf32, #tpu.memory_space<vmem>>
      %dma_start3A_135 = tpu.memref_squeeze %dma_start3A_134 : memref<1x128x128xf32, #tpu.memory_space<vmem>> -> memref<128x128xf32, #tpu.memory_space<vmem>>
      %dma_start3A_136 = arith.constant 0 : i32
      %dma_start3A_137 = tpu.memref_slice %arg5[%dma_start3A_129, %dma_start3A_136] : memref<5x128xi32, #tpu.memory_space<vmem>> -> memref<1x128xi32, #tpu.memory_space<vmem>>
      %dma_start3A_138 = tpu.memref_squeeze %dma_start3A_137 : memref<1x128xi32, #tpu.memory_space<vmem>> -> memref<128xi32, #tpu.memory_space<vmem>>
      %dma_start3A_139 = arith.constant 0 : i32
      %dma_start3A_140 = arith.constant 0 : i32
      %dma_start3A_141 = tpu.memref_slice %arg2[%dma_start3A_139, %dma_start3A_140] : memref<1000000x128xf32, #tpu.memory_space<hbm>> -> memref<1000000x128xf32, #tpu.memory_space<hbm>>
      %dma_start3A_142 = tpu.memref_slice %arg9[%dma_start3A_131] : memref<5x!tpu.dma_semaphore, #tpu.memory_space<semaphore_mem>> -> memref<1x!tpu.dma_semaphore, #tpu.memory_space<semaphore_mem>>
      %dma_start3A_143 = tpu.memref_squeeze %dma_start3A_142 : memref<1x!tpu.dma_semaphore, #tpu.memory_space<semaphore_mem>> -> memref<!tpu.dma_semaphore, #tpu.memory_space<semaphore_mem>>
      tpu.enqueue_indirect_dma source(%dma_start3A_141 : memref<1000000x128xf32, #tpu.memory_space<hbm>>) target(%dma_start3A_135 : memref<128x128xf32, #tpu.memory_space<vmem>>) offsets(%dma_start3A_138 : memref<128xi32, #tpu.memory_space<vmem>>) semaphore(%dma_start3A_143 : memref<!tpu.dma_semaphore, #tpu.memory_space<semaphore_mem>>)
      %add3A_144 = arith.constant 128 : i32
      %add3A_145 = arith.addi %add3A_114, %add3A_144 : i32
      %dma_wait3A_146 = arith.constant 1 : i32
      %dma_wait3A_147 = arith.constant 1 : i32
      %dma_wait3A_148 = arith.constant 0 : i32
      %dma_wait3A_149 = tpu.memref_slice %arg5[%dma_wait3A_146, %dma_wait3A_148] : memref<5x128xi32, #tpu.memory_space<vmem>> -> memref<1x128xi32, #tpu.memory_space<vmem>>
      %dma_wait3A_150 = tpu.memref_squeeze %dma_wait3A_149 : memref<1x128xi32, #tpu.memory_space<vmem>> -> memref<128xi32, #tpu.memory_space<vmem>>
      %dma_wait3A_151 = tpu.memref_slice %arg3[%add3A_145] : memref<819200xi32, #tpu.memory_space<hbm>> -> memref<128xi32, #tpu.memory_space<hbm>>
      %dma_wait3A_152 = tpu.memref_slice %arg8[%dma_wait3A_147] : memref<5x!tpu.dma_semaphore, #tpu.memory_space<semaphore_mem>> -> memref<1x!tpu.dma_semaphore, #tpu.memory_space<semaphore_mem>>
      %dma_wait3A_153 = tpu.memref_squeeze %dma_wait3A_152 : memref<1x!tpu.dma_semaphore, #tpu.memory_space<semaphore_mem>> -> memref<!tpu.dma_semaphore, #tpu.memory_space<semaphore_mem>>
      %dma_wait3A_154 = arith.constant 0 : i32
      %dma_wait3A_155 = tpu.memref_slice %arg5[%dma_wait3A_146, %dma_wait3A_154] : memref<5x128xi32, #tpu.memory_space<vmem>> -> memref<1x128xi32, #tpu.memory_space<vmem>>
      %dma_wait3A_156 = tpu.memref_squeeze %dma_wait3A_155 : memref<1x128xi32, #tpu.memory_space<vmem>> -> memref<128xi32, #tpu.memory_space<vmem>>
      %dma_wait3A_157 = tpu.memref_slice %arg3[%add3A_145] : memref<819200xi32, #tpu.memory_space<hbm>> -> memref<128xi32, #tpu.memory_space<hbm>>
      tpu.wait_dma2 semaphore(%dma_wait3A_153 : memref<!tpu.dma_semaphore, #tpu.memory_space<semaphore_mem>>) src(%dma_wait3A_157 : memref<128xi32, #tpu.memory_space<hbm>>) dst(%dma_wait3A_156 : memref<128xi32, #tpu.memory_space<vmem>>)
      %dma_start3A_158 = arith.constant 1 : i32
      %dma_start3A_159 = arith.constant 1 : i32
      %dma_start3A_160 = arith.constant 1 : i32
      %dma_start3A_161 = arith.constant 0 : i32
      %dma_start3A_162 = arith.constant 0 : i32
      %dma_start3A_163 = tpu.memref_slice %arg6[%dma_start3A_159, %dma_start3A_161, %dma_start3A_162] : memref<5x128x128xf32, #tpu.memory_space<vmem>> -> memref<1x128x128xf32, #tpu.memory_space<vmem>>
      %dma_start3A_164 = tpu.memref_squeeze %dma_start3A_163 : memref<1x128x128xf32, #tpu.memory_space<vmem>> -> memref<128x128xf32, #tpu.memory_space<vmem>>
      %dma_start3A_165 = arith.constant 0 : i32
      %dma_start3A_166 = tpu.memref_slice %arg5[%dma_start3A_158, %dma_start3A_165] : memref<5x128xi32, #tpu.memory_space<vmem>> -> memref<1x128xi32, #tpu.memory_space<vmem>>
      %dma_start3A_167 = tpu.memref_squeeze %dma_start3A_166 : memref<1x128xi32, #tpu.memory_space<vmem>> -> memref<128xi32, #tpu.memory_space<vmem>>
      %dma_start3A_168 = arith.constant 0 : i32
      %dma_start3A_169 = arith.constant 0 : i32
      %dma_start3A_170 = tpu.memref_slice %arg2[%dma_start3A_168, %dma_start3A_169] : memref<1000000x128xf32, #tpu.memory_space<hbm>> -> memref<1000000x128xf32, #tpu.memory_space<hbm>>
      %dma_start3A_171 = tpu.memref_slice %arg9[%dma_start3A_160] : memref<5x!tpu.dma_semaphore, #tpu.memory_space<semaphore_mem>> -> memref<1x!tpu.dma_semaphore, #tpu.memory_space<semaphore_mem>>
      %dma_start3A_172 = tpu.memref_squeeze %dma_start3A_171 : memref<1x!tpu.dma_semaphore, #tpu.memory_space<semaphore_mem>> -> memref<!tpu.dma_semaphore, #tpu.memory_space<semaphore_mem>>
      tpu.enqueue_indirect_dma source(%dma_start3A_170 : memref<1000000x128xf32, #tpu.memory_space<hbm>>) target(%dma_start3A_164 : memref<128x128xf32, #tpu.memory_space<vmem>>) offsets(%dma_start3A_167 : memref<128xi32, #tpu.memory_space<vmem>>) semaphore(%dma_start3A_172 : memref<!tpu.dma_semaphore, #tpu.memory_space<semaphore_mem>>)
      %add3A_173 = arith.constant 256 : i32
      %add3A_174 = arith.addi %add3A_114, %add3A_173 : i32
      %dma_wait3A_175 = arith.constant 2 : i32
      %dma_wait3A_176 = arith.constant 2 : i32
      %dma_wait3A_177 = arith.constant 0 : i32
      %dma_wait3A_178 = tpu.memref_slice %arg5[%dma_wait3A_175, %dma_wait3A_177] : memref<5x128xi32, #tpu.memory_space<vmem>> -> memref<1x128xi32, #tpu.memory_space<vmem>>
      %dma_wait3A_179 = tpu.memref_squeeze %dma_wait3A_178 : memref<1x128xi32, #tpu.memory_space<vmem>> -> memref<128xi32, #tpu.memory_space<vmem>>
      %dma_wait3A_180 = tpu.memref_slice %arg3[%add3A_174] : memref<819200xi32, #tpu.memory_space<hbm>> -> memref<128xi32, #tpu.memory_space<hbm>>
      %dma_wait3A_181 = tpu.memref_slice %arg8[%dma_wait3A_176] : memref<5x!tpu.dma_semaphore, #tpu.memory_space<semaphore_mem>> -> memref<1x!tpu.dma_semaphore, #tpu.memory_space<semaphore_mem>>
      %dma_wait3A_182 = tpu.memref_squeeze %dma_wait3A_181 : memref<1x!tpu.dma_semaphore, #tpu.memory_space<semaphore_mem>> -> memref<!tpu.dma_semaphore, #tpu.memory_space<semaphore_mem>>
      %dma_wait3A_183 = arith.constant 0 : i32
      %dma_wait3A_184 = tpu.memref_slice %arg5[%dma_wait3A_175, %dma_wait3A_183] : memref<5x128xi32, #tpu.memory_space<vmem>> -> memref<1x128xi32, #tpu.memory_space<vmem>>
      %dma_wait3A_185 = tpu.memref_squeeze %dma_wait3A_184 : memref<1x128xi32, #tpu.memory_space<vmem>> -> memref<128xi32, #tpu.memory_space<vmem>>
      %dma_wait3A_186 = tpu.memref_slice %arg3[%add3A_174] : memref<819200xi32, #tpu.memory_space<hbm>> -> memref<128xi32, #tpu.memory_space<hbm>>
      tpu.wait_dma2 semaphore(%dma_wait3A_182 : memref<!tpu.dma_semaphore, #tpu.memory_space<semaphore_mem>>) src(%dma_wait3A_186 : memref<128xi32, #tpu.memory_space<hbm>>) dst(%dma_wait3A_185 : memref<128xi32, #tpu.memory_space<vmem>>)
      %dma_start3A_187 = arith.constant 2 : i32
      %dma_start3A_188 = arith.constant 2 : i32
      %dma_start3A_189 = arith.constant 2 : i32
      %dma_start3A_190 = arith.constant 0 : i32
      %dma_start3A_191 = arith.constant 0 : i32
      %dma_start3A_192 = tpu.memref_slice %arg6[%dma_start3A_188, %dma_start3A_190, %dma_start3A_191] : memref<5x128x128xf32, #tpu.memory_space<vmem>> -> memref<1x128x128xf32, #tpu.memory_space<vmem>>
      %dma_start3A_193 = tpu.memref_squeeze %dma_start3A_192 : memref<1x128x128xf32, #tpu.memory_space<vmem>> -> memref<128x128xf32, #tpu.memory_space<vmem>>
      %dma_start3A_194 = arith.constant 0 : i32
      %dma_start3A_195 = tpu.memref_slice %arg5[%dma_start3A_187, %dma_start3A_194] : memref<5x128xi32, #tpu.memory_space<vmem>> -> memref<1x128xi32, #tpu.memory_space<vmem>>
      %dma_start3A_196 = tpu.memref_squeeze %dma_start3A_195 : memref<1x128xi32, #tpu.memory_space<vmem>> -> memref<128xi32, #tpu.memory_space<vmem>>
      %dma_start3A_197 = arith.constant 0 : i32
      %dma_start3A_198 = arith.constant 0 : i32
      %dma_start3A_199 = tpu.memref_slice %arg2[%dma_start3A_197, %dma_start3A_198] : memref<1000000x128xf32, #tpu.memory_space<hbm>> -> memref<1000000x128xf32, #tpu.memory_space<hbm>>
      %dma_start3A_200 = tpu.memref_slice %arg9[%dma_start3A_189] : memref<5x!tpu.dma_semaphore, #tpu.memory_space<semaphore_mem>> -> memref<1x!tpu.dma_semaphore, #tpu.memory_space<semaphore_mem>>
      %dma_start3A_201 = tpu.memref_squeeze %dma_start3A_200 : memref<1x!tpu.dma_semaphore, #tpu.memory_space<semaphore_mem>> -> memref<!tpu.dma_semaphore, #tpu.memory_space<semaphore_mem>>
      tpu.enqueue_indirect_dma source(%dma_start3A_199 : memref<1000000x128xf32, #tpu.memory_space<hbm>>) target(%dma_start3A_193 : memref<128x128xf32, #tpu.memory_space<vmem>>) offsets(%dma_start3A_196 : memref<128xi32, #tpu.memory_space<vmem>>) semaphore(%dma_start3A_201 : memref<!tpu.dma_semaphore, #tpu.memory_space<semaphore_mem>>)
      %add3A_202 = arith.constant 384 : i32
      %add3A_203 = arith.addi %add3A_114, %add3A_202 : i32
      %dma_wait3A_204 = arith.constant 3 : i32
      %dma_wait3A_205 = arith.constant 3 : i32
      %dma_wait3A_206 = arith.constant 0 : i32
      %dma_wait3A_207 = tpu.memref_slice %arg5[%dma_wait3A_204, %dma_wait3A_206] : memref<5x128xi32, #tpu.memory_space<vmem>> -> memref<1x128xi32, #tpu.memory_space<vmem>>
      %dma_wait3A_208 = tpu.memref_squeeze %dma_wait3A_207 : memref<1x128xi32, #tpu.memory_space<vmem>> -> memref<128xi32, #tpu.memory_space<vmem>>
      %dma_wait3A_209 = tpu.memref_slice %arg3[%add3A_203] : memref<819200xi32, #tpu.memory_space<hbm>> -> memref<128xi32, #tpu.memory_space<hbm>>
      %dma_wait3A_210 = tpu.memref_slice %arg8[%dma_wait3A_205] : memref<5x!tpu.dma_semaphore, #tpu.memory_space<semaphore_mem>> -> memref<1x!tpu.dma_semaphore, #tpu.memory_space<semaphore_mem>>
      %dma_wait3A_211 = tpu.memref_squeeze %dma_wait3A_210 : memref<1x!tpu.dma_semaphore, #tpu.memory_space<semaphore_mem>> -> memref<!tpu.dma_semaphore, #tpu.memory_space<semaphore_mem>>
      %dma_wait3A_212 = arith.constant 0 : i32
      %dma_wait3A_213 = tpu.memref_slice %arg5[%dma_wait3A_204, %dma_wait3A_212] : memref<5x128xi32, #tpu.memory_space<vmem>> -> memref<1x128xi32, #tpu.memory_space<vmem>>
      %dma_wait3A_214 = tpu.memref_squeeze %dma_wait3A_213 : memref<1x128xi32, #tpu.memory_space<vmem>> -> memref<128xi32, #tpu.memory_space<vmem>>
      %dma_wait3A_215 = tpu.memref_slice %arg3[%add3A_203] : memref<819200xi32, #tpu.memory_space<hbm>> -> memref<128xi32, #tpu.memory_space<hbm>>
      tpu.wait_dma2 semaphore(%dma_wait3A_211 : memref<!tpu.dma_semaphore, #tpu.memory_space<semaphore_mem>>) src(%dma_wait3A_215 : memref<128xi32, #tpu.memory_space<hbm>>) dst(%dma_wait3A_214 : memref<128xi32, #tpu.memory_space<vmem>>)
      %dma_start3A_216 = arith.constant 3 : i32
      %dma_start3A_217 = arith.constant 3 : i32
      %dma_start3A_218 = arith.constant 3 : i32
      %dma_start3A_219 = arith.constant 0 : i32
      %dma_start3A_220 = arith.constant 0 : i32
      %dma_start3A_221 = tpu.memref_slice %arg6[%dma_start3A_217, %dma_start3A_219, %dma_start3A_220] : memref<5x128x128xf32, #tpu.memory_space<vmem>> -> memref<1x128x128xf32, #tpu.memory_space<vmem>>
      %dma_start3A_222 = tpu.memref_squeeze %dma_start3A_221 : memref<1x128x128xf32, #tpu.memory_space<vmem>> -> memref<128x128xf32, #tpu.memory_space<vmem>>
      %dma_start3A_223 = arith.constant 0 : i32
      %dma_start3A_224 = tpu.memref_slice %arg5[%dma_start3A_216, %dma_start3A_223] : memref<5x128xi32, #tpu.memory_space<vmem>> -> memref<1x128xi32, #tpu.memory_space<vmem>>
      %dma_start3A_225 = tpu.memref_squeeze %dma_start3A_224 : memref<1x128xi32, #tpu.memory_space<vmem>> -> memref<128xi32, #tpu.memory_space<vmem>>
      %dma_start3A_226 = arith.constant 0 : i32
      %dma_start3A_227 = arith.constant 0 : i32
      %dma_start3A_228 = tpu.memref_slice %arg2[%dma_start3A_226, %dma_start3A_227] : memref<1000000x128xf32, #tpu.memory_space<hbm>> -> memref<1000000x128xf32, #tpu.memory_space<hbm>>
      %dma_start3A_229 = tpu.memref_slice %arg9[%dma_start3A_218] : memref<5x!tpu.dma_semaphore, #tpu.memory_space<semaphore_mem>> -> memref<1x!tpu.dma_semaphore, #tpu.memory_space<semaphore_mem>>
      %dma_start3A_230 = tpu.memref_squeeze %dma_start3A_229 : memref<1x!tpu.dma_semaphore, #tpu.memory_space<semaphore_mem>> -> memref<!tpu.dma_semaphore, #tpu.memory_space<semaphore_mem>>
      tpu.enqueue_indirect_dma source(%dma_start3A_228 : memref<1000000x128xf32, #tpu.memory_space<hbm>>) target(%dma_start3A_222 : memref<128x128xf32, #tpu.memory_space<vmem>>) offsets(%dma_start3A_225 : memref<128xi32, #tpu.memory_space<vmem>>) semaphore(%dma_start3A_230 : memref<!tpu.dma_semaphore, #tpu.memory_space<semaphore_mem>>)
      %add3A_231 = arith.constant 512 : i32
      %add3A_232 = arith.addi %add3A_114, %add3A_231 : i32
      %dma_wait3A_233 = arith.constant 4 : i32
      %dma_wait3A_234 = arith.constant 4 : i32
      %dma_wait3A_235 = arith.constant 0 : i32
      %dma_wait3A_236 = tpu.memref_slice %arg5[%dma_wait3A_233, %dma_wait3A_235] : memref<5x128xi32, #tpu.memory_space<vmem>> -> memref<1x128xi32, #tpu.memory_space<vmem>>
      %dma_wait3A_237 = tpu.memref_squeeze %dma_wait3A_236 : memref<1x128xi32, #tpu.memory_space<vmem>> -> memref<128xi32, #tpu.memory_space<vmem>>
      %dma_wait3A_238 = tpu.memref_slice %arg3[%add3A_232] : memref<819200xi32, #tpu.memory_space<hbm>> -> memref<128xi32, #tpu.memory_space<hbm>>
      %dma_wait3A_239 = tpu.memref_slice %arg8[%dma_wait3A_234] : memref<5x!tpu.dma_semaphore, #tpu.memory_space<semaphore_mem>> -> memref<1x!tpu.dma_semaphore, #tpu.memory_space<semaphore_mem>>
      %dma_wait3A_240 = tpu.memref_squeeze %dma_wait3A_239 : memref<1x!tpu.dma_semaphore, #tpu.memory_space<semaphore_mem>> -> memref<!tpu.dma_semaphore, #tpu.memory_space<semaphore_mem>>
      %dma_wait3A_241 = arith.constant 0 : i32
      %dma_wait3A_242 = tpu.memref_slice %arg5[%dma_wait3A_233, %dma_wait3A_241] : memref<5x128xi32, #tpu.memory_space<vmem>> -> memref<1x128xi32, #tpu.memory_space<vmem>>
      %dma_wait3A_243 = tpu.memref_squeeze %dma_wait3A_242 : memref<1x128xi32, #tpu.memory_space<vmem>> -> memref<128xi32, #tpu.memory_space<vmem>>
      %dma_wait3A_244 = tpu.memref_slice %arg3[%add3A_232] : memref<819200xi32, #tpu.memory_space<hbm>> -> memref<128xi32, #tpu.memory_space<hbm>>
      tpu.wait_dma2 semaphore(%dma_wait3A_240 : memref<!tpu.dma_semaphore, #tpu.memory_space<semaphore_mem>>) src(%dma_wait3A_244 : memref<128xi32, #tpu.memory_space<hbm>>) dst(%dma_wait3A_243 : memref<128xi32, #tpu.memory_space<vmem>>)
      %dma_start3A_245 = arith.constant 4 : i32
      %dma_start3A_246 = arith.constant 4 : i32
      %dma_start3A_247 = arith.constant 4 : i32
      %dma_start3A_248 = arith.constant 0 : i32
      %dma_start3A_249 = arith.constant 0 : i32
      %dma_start3A_250 = tpu.memref_slice %arg6[%dma_start3A_246, %dma_start3A_248, %dma_start3A_249] : memref<5x128x128xf32, #tpu.memory_space<vmem>> -> memref<1x128x128xf32, #tpu.memory_space<vmem>>
      %dma_start3A_251 = tpu.memref_squeeze %dma_start3A_250 : memref<1x128x128xf32, #tpu.memory_space<vmem>> -> memref<128x128xf32, #tpu.memory_space<vmem>>
      %dma_start3A_252 = arith.constant 0 : i32
      %dma_start3A_253 = tpu.memref_slice %arg5[%dma_start3A_245, %dma_start3A_252] : memref<5x128xi32, #tpu.memory_space<vmem>> -> memref<1x128xi32, #tpu.memory_space<vmem>>
      %dma_start3A_254 = tpu.memref_squeeze %dma_start3A_253 : memref<1x128xi32, #tpu.memory_space<vmem>> -> memref<128xi32, #tpu.memory_space<vmem>>
      %dma_start3A_255 = arith.constant 0 : i32
      %dma_start3A_256 = arith.constant 0 : i32
      %dma_start3A_257 = tpu.memref_slice %arg2[%dma_start3A_255, %dma_start3A_256] : memref<1000000x128xf32, #tpu.memory_space<hbm>> -> memref<1000000x128xf32, #tpu.memory_space<hbm>>
      %dma_start3A_258 = tpu.memref_slice %arg9[%dma_start3A_247] : memref<5x!tpu.dma_semaphore, #tpu.memory_space<semaphore_mem>> -> memref<1x!tpu.dma_semaphore, #tpu.memory_space<semaphore_mem>>
      %dma_start3A_259 = tpu.memref_squeeze %dma_start3A_258 : memref<1x!tpu.dma_semaphore, #tpu.memory_space<semaphore_mem>> -> memref<!tpu.dma_semaphore, #tpu.memory_space<semaphore_mem>>
      tpu.enqueue_indirect_dma source(%dma_start3A_257 : memref<1000000x128xf32, #tpu.memory_space<hbm>>) target(%dma_start3A_251 : memref<128x128xf32, #tpu.memory_space<vmem>>) offsets(%dma_start3A_254 : memref<128xi32, #tpu.memory_space<vmem>>) semaphore(%dma_start3A_259 : memref<!tpu.dma_semaphore, #tpu.memory_space<semaphore_mem>>)
      %add3A_260 = arith.constant 0 : i32
      %add3A_261 = arith.addi %add3A_114, %add3A_260 : i32
      %dma_wait3A_262 = arith.constant 0 : i32
      %dma_wait3A_263 = arith.constant 0 : i32
      %dma_wait3A_264 = arith.constant 0 : i32
      %dma_wait3A_265 = arith.constant 0 : i32
      %dma_wait3A_266 = arith.constant 0 : i32
      %dma_wait3A_267 = tpu.memref_slice %arg6[%dma_wait3A_263, %dma_wait3A_265, %dma_wait3A_266] : memref<5x128x128xf32, #tpu.memory_space<vmem>> -> memref<1x128x128xf32, #tpu.memory_space<vmem>>
      %dma_wait3A_268 = tpu.memref_squeeze %dma_wait3A_267 : memref<1x128x128xf32, #tpu.memory_space<vmem>> -> memref<128x128xf32, #tpu.memory_space<vmem>>
      %dma_wait3A_269 = arith.constant 0 : i32
      %dma_wait3A_270 = tpu.memref_slice %arg5[%dma_wait3A_262, %dma_wait3A_269] : memref<5x128xi32, #tpu.memory_space<vmem>> -> memref<1x128xi32, #tpu.memory_space<vmem>>
      %dma_wait3A_271 = tpu.memref_squeeze %dma_wait3A_270 : memref<1x128xi32, #tpu.memory_space<vmem>> -> memref<128xi32, #tpu.memory_space<vmem>>
      %dma_wait3A_272 = arith.constant 0 : i32
      %dma_wait3A_273 = arith.constant 0 : i32
      %dma_wait3A_274 = tpu.memref_slice %arg2[%dma_wait3A_272, %dma_wait3A_273] : memref<1000000x128xf32, #tpu.memory_space<hbm>> -> memref<1000000x128xf32, #tpu.memory_space<hbm>>
      %dma_wait3A_275 = tpu.memref_slice %arg9[%dma_wait3A_264] : memref<5x!tpu.dma_semaphore, #tpu.memory_space<semaphore_mem>> -> memref<1x!tpu.dma_semaphore, #tpu.memory_space<semaphore_mem>>
      %dma_wait3A_276 = tpu.memref_squeeze %dma_wait3A_275 : memref<1x!tpu.dma_semaphore, #tpu.memory_space<semaphore_mem>> -> memref<!tpu.dma_semaphore, #tpu.memory_space<semaphore_mem>>
      tpu.wait_indirect_dma semaphore(%dma_wait3A_276 : memref<!tpu.dma_semaphore, #tpu.memory_space<semaphore_mem>>) src(%dma_wait3A_274 : memref<1000000x128xf32, #tpu.memory_space<hbm>>) dst(%dma_wait3A_268 : memref<128x128xf32, #tpu.memory_space<vmem>>)
      %gt3A = arith.constant 0 : i32
      %gt3A_277 = arith.cmpi sgt, %add3A_111, %gt3A : i32
      %convert_element_type3A = arith.extui %gt3A_277 : i1 to i32
      %cond3A = arith.constant 0 : i32
      %cond3A_278 = arith.cmpi ne, %convert_element_type3A, %cond3A : i32
      scf.if %cond3A_278 {
        %dma_wait3A_539 = arith.constant 0 : i32
        %dma_wait3A_540 = arith.constant 0 : i32
        %dma_wait3A_541 = arith.constant 0 : i32
        %dma_wait3A_542 = arith.constant 0 : i32
        %dma_wait3A_543 = tpu.memref_slice %arg7[%dma_wait3A_539, %dma_wait3A_541, %dma_wait3A_542] : memref<2x128x64xf32, #tpu.memory_space<vmem>> -> memref<1x128x64xf32, #tpu.memory_space<vmem>>
        %dma_wait3A_544 = tpu.memref_squeeze %dma_wait3A_543 : memref<1x128x64xf32, #tpu.memory_space<vmem>> -> memref<128x64xf32, #tpu.memory_space<vmem>>
        %dma_wait3A_545 = arith.constant 0 : i32
        %dma_wait3A_546 = tpu.memref_slice %arg4[%mul3A_2, %dma_wait3A_545] : memref<819200x64xf32, #tpu.memory_space<hbm>> -> memref<128x64xf32, #tpu.memory_space<hbm>>
        %dma_wait3A_547 = tpu.memref_slice %arg10[%dma_wait3A_540] : memref<2x!tpu.dma_semaphore, #tpu.memory_space<semaphore_mem>> -> memref<1x!tpu.dma_semaphore, #tpu.memory_space<semaphore_mem>>
        %dma_wait3A_548 = tpu.memref_squeeze %dma_wait3A_547 : memref<1x!tpu.dma_semaphore, #tpu.memory_space<semaphore_mem>> -> memref<!tpu.dma_semaphore, #tpu.memory_space<semaphore_mem>>
        %dma_wait3A_549 = arith.constant 0 : i32
        %dma_wait3A_550 = tpu.memref_slice %arg4[%mul3A_2, %dma_wait3A_549] : memref<819200x64xf32, #tpu.memory_space<hbm>> -> memref<128x64xf32, #tpu.memory_space<hbm>>
        %dma_wait3A_551 = arith.constant 0 : i32
        %dma_wait3A_552 = arith.constant 0 : i32
        %dma_wait3A_553 = tpu.memref_slice %arg7[%dma_wait3A_539, %dma_wait3A_551, %dma_wait3A_552] : memref<2x128x64xf32, #tpu.memory_space<vmem>> -> memref<1x128x64xf32, #tpu.memory_space<vmem>>
        %dma_wait3A_554 = tpu.memref_squeeze %dma_wait3A_553 : memref<1x128x64xf32, #tpu.memory_space<vmem>> -> memref<128x64xf32, #tpu.memory_space<vmem>>
        tpu.wait_dma2 semaphore(%dma_wait3A_548 : memref<!tpu.dma_semaphore, #tpu.memory_space<semaphore_mem>>) src(%dma_wait3A_554 : memref<128x64xf32, #tpu.memory_space<vmem>>) dst(%dma_wait3A_550 : memref<128x64xf32, #tpu.memory_space<hbm>>)
      } else {
      }
      %scan3A_279 = arith.constant 0 : i32
      %scan3A_280 = arith.constant 128 : i32
      %scan3A_281 = arith.addi %scan3A_279, %scan3A_280 : i32
      %scan3A_282 = arith.constant 1 : i32
      scf.for %scan3A_539 = %scan3A_279 to %scan3A_281 step %scan3A_282  : i32 {
        %mul3A_540 = arith.constant 1 : i32
        %mul3A_541 = arith.muli %scan3A_539, %mul3A_540 : i32
        %add3A_542 = arith.constant 0 : i32
        %add3A_543 = arith.addi %add3A_542, %mul3A_541 : i32
        %get3A = arith.constant 0 : i32
        %get3A_544 = arith.index_cast %get3A : i32 to index
        %get3A_545 = arith.index_cast %add3A_543 : i32 to index
        %get3A_546 = arith.constant 0 : index
        %get3A_547 = tpu.vector_load %arg6[%get3A_544, %get3A_545, %get3A_546] {strides = array<i32>} : memref<5x128x128xf32, #tpu.memory_space<vmem>>, vector<1x1x16xf32>,
        %get3A_548 = vector.shape_cast %get3A_547 : vector<1x1x16xf32> to vector<16xf32>
        %swap3A = arith.constant 0 : i32
        %swap3A_549 = arith.index_cast %swap3A : i32 to index
        %swap3A_550 = arith.index_cast %add3A_543 : i32 to index
        %swap3A_551 = arith.constant 0 : index
        %swap3A_552 = tpu.vector_load %arg7[%swap3A_549, %swap3A_550, %swap3A_551] {strides = array<i32>} : memref<2x128x64xf32, #tpu.memory_space<vmem>>, vector<1x1x16xf32>,
        %swap3A_553 = vector.shape_cast %swap3A_552 : vector<1x1x16xf32> to vector<16xf32>
        %swap3A_554 = vector.shape_cast %get3A_548 : vector<16xf32> to vector<1x1x16xf32>
        tpu.vector_store %arg7[%swap3A_549, %swap3A_550, %swap3A_551], %swap3A_554 {strides = array<i32>} : memref<2x128x64xf32, #tpu.memory_space<vmem>>, vector<1x1x16xf32>,
        %get3A_555 = arith.constant 0 : i32
        %get3A_556 = arith.index_cast %get3A_555 : i32 to index
        %get3A_557 = arith.index_cast %add3A_543 : i32 to index
        %get3A_558 = arith.constant 16 : index
        %get3A_559 = tpu.vector_load %arg6[%get3A_556, %get3A_557, %get3A_558] {strides = array<i32>} : memref<5x128x128xf32, #tpu.memory_space<vmem>>, vector<1x1x16xf32>,
        %get3A_560 = vector.shape_cast %get3A_559 : vector<1x1x16xf32> to vector<16xf32>
        %swap3A_561 = arith.constant 0 : i32
        %swap3A_562 = arith.index_cast %swap3A_561 : i32 to index
        %swap3A_563 = arith.index_cast %add3A_543 : i32 to index
        %swap3A_564 = arith.constant 16 : index
        %swap3A_565 = tpu.vector_load %arg7[%swap3A_562, %swap3A_563, %swap3A_564] {strides = array<i32>} : memref<2x128x64xf32, #tpu.memory_space<vmem>>, vector<1x1x16xf32>,
        %swap3A_566 = vector.shape_cast %swap3A_565 : vector<1x1x16xf32> to vector<16xf32>
        %swap3A_567 = vector.shape_cast %get3A_560 : vector<16xf32> to vector<1x1x16xf32>
        tpu.vector_store %arg7[%swap3A_562, %swap3A_563, %swap3A_564], %swap3A_567 {strides = array<i32>} : memref<2x128x64xf32, #tpu.memory_space<vmem>>, vector<1x1x16xf32>,
        %get3A_568 = arith.constant 0 : i32
        %get3A_569 = arith.index_cast %get3A_568 : i32 to index
        %get3A_570 = arith.index_cast %add3A_543 : i32 to index
        %get3A_571 = arith.constant 32 : index
        %get3A_572 = tpu.vector_load %arg6[%get3A_569, %get3A_570, %get3A_571] {strides = array<i32>} : memref<5x128x128xf32, #tpu.memory_space<vmem>>, vector<1x1x16xf32>,
        %get3A_573 = vector.shape_cast %get3A_572 : vector<1x1x16xf32> to vector<16xf32>
        %swap3A_574 = arith.constant 0 : i32
        %swap3A_575 = arith.index_cast %swap3A_574 : i32 to index
        %swap3A_576 = arith.index_cast %add3A_543 : i32 to index
        %swap3A_577 = arith.constant 32 : index
        %swap3A_578 = tpu.vector_load %arg7[%swap3A_575, %swap3A_576, %swap3A_577] {strides = array<i32>} : memref<2x128x64xf32, #tpu.memory_space<vmem>>, vector<1x1x16xf32>,
        %swap3A_579 = vector.shape_cast %swap3A_578 : vector<1x1x16xf32> to vector<16xf32>
        %swap3A_580 = vector.shape_cast %get3A_573 : vector<16xf32> to vector<1x1x16xf32>
        tpu.vector_store %arg7[%swap3A_575, %swap3A_576, %swap3A_577], %swap3A_580 {strides = array<i32>} : memref<2x128x64xf32, #tpu.memory_space<vmem>>, vector<1x1x16xf32>,
        %get3A_581 = arith.constant 0 : i32
        %get3A_582 = arith.index_cast %get3A_581 : i32 to index
        %get3A_583 = arith.index_cast %add3A_543 : i32 to index
        %get3A_584 = arith.constant 48 : index
        %get3A_585 = tpu.vector_load %arg6[%get3A_582, %get3A_583, %get3A_584] {strides = array<i32>} : memref<5x128x128xf32, #tpu.memory_space<vmem>>, vector<1x1x16xf32>,
        %get3A_586 = vector.shape_cast %get3A_585 : vector<1x1x16xf32> to vector<16xf32>
        %swap3A_587 = arith.constant 0 : i32
        %swap3A_588 = arith.index_cast %swap3A_587 : i32 to index
        %swap3A_589 = arith.index_cast %add3A_543 : i32 to index
        %swap3A_590 = arith.constant 48 : index
        %swap3A_591 = tpu.vector_load %arg7[%swap3A_588, %swap3A_589, %swap3A_590] {strides = array<i32>} : memref<2x128x64xf32, #tpu.memory_space<vmem>>, vector<1x1x16xf32>,
        %swap3A_592 = vector.shape_cast %swap3A_591 : vector<1x1x16xf32> to vector<16xf32>
        %swap3A_593 = vector.shape_cast %get3A_586 : vector<16xf32> to vector<1x1x16xf32>
        tpu.vector_store %arg7[%swap3A_588, %swap3A_589, %swap3A_590], %swap3A_593 {strides = array<i32>} : memref<2x128x64xf32, #tpu.memory_space<vmem>>, vector<1x1x16xf32>,
      }
      %scan3A_283 = arith.constant 128 : i32
      %dma_start3A_284 = arith.constant 0 : i32
      %dma_start3A_285 = arith.constant 0 : i32
      %dma_start3A_286 = arith.constant 0 : i32
      %dma_start3A_287 = arith.constant 0 : i32
      %dma_start3A_288 = tpu.memref_slice %arg7[%dma_start3A_284, %dma_start3A_286, %dma_start3A_287] : memref<2x128x64xf32, #tpu.memory_space<vmem>> -> memref<1x128x64xf32, #tpu.memory_space<vmem>>
      %dma_start3A_289 = tpu.memref_squeeze %dma_start3A_288 : memref<1x128x64xf32, #tpu.memory_space<vmem>> -> memref<128x64xf32, #tpu.memory_space<vmem>>
      %dma_start3A_290 = arith.constant 0 : i32
      %dma_start3A_291 = tpu.memref_slice %arg4[%add3A_261, %dma_start3A_290] : memref<819200x64xf32, #tpu.memory_space<hbm>> -> memref<128x64xf32, #tpu.memory_space<hbm>>
      %dma_start3A_292 = tpu.memref_slice %arg10[%dma_start3A_285] : memref<2x!tpu.dma_semaphore, #tpu.memory_space<semaphore_mem>> -> memref<1x!tpu.dma_semaphore, #tpu.memory_space<semaphore_mem>>
      %dma_start3A_293 = tpu.memref_squeeze %dma_start3A_292 : memref<1x!tpu.dma_semaphore, #tpu.memory_space<semaphore_mem>> -> memref<!tpu.dma_semaphore, #tpu.memory_space<semaphore_mem>>
      %dma_start3A_294 = arith.constant 0 : i32
      %dma_start3A_295 = tpu.memref_slice %arg4[%add3A_261, %dma_start3A_294] : memref<819200x64xf32, #tpu.memory_space<hbm>> -> memref<128x64xf32, #tpu.memory_space<hbm>>
      %dma_start3A_296 = arith.constant 0 : i32
      %dma_start3A_297 = arith.constant 0 : i32
      %dma_start3A_298 = tpu.memref_slice %arg7[%dma_start3A_284, %dma_start3A_296, %dma_start3A_297] : memref<2x128x64xf32, #tpu.memory_space<vmem>> -> memref<1x128x64xf32, #tpu.memory_space<vmem>>
      %dma_start3A_299 = tpu.memref_squeeze %dma_start3A_298 : memref<1x128x64xf32, #tpu.memory_space<vmem>> -> memref<128x64xf32, #tpu.memory_space<vmem>>
      tpu.enqueue_dma source(%dma_start3A_299 : memref<128x64xf32, #tpu.memory_space<vmem>>) target(%dma_start3A_295 : memref<128x64xf32, #tpu.memory_space<hbm>>) target_semaphore(%dma_start3A_293 : memref<!tpu.dma_semaphore, #tpu.memory_space<semaphore_mem>>)
      %add3A_300 = arith.constant 1 : i32
      %add3A_301 = arith.addi %add3A_111, %add3A_300 : i32
      %lt3A = arith.constant 40 : i32
      %lt3A_302 = arith.cmpi slt, %add3A_301, %lt3A : i32
      %convert_element_type3A_303 = arith.extui %lt3A_302 : i1 to i32
      %cond3A_304 = arith.constant 0 : i32
      %cond3A_305 = arith.cmpi ne, %convert_element_type3A_303, %cond3A_304 : i32
      scf.if %cond3A_305 {
        %add3A_539 = arith.constant 640 : i32
        %add3A_540 = arith.addi %add3A_114, %add3A_539 : i32
        %dma_start3A_541 = arith.constant 0 : i32
        %dma_start3A_542 = arith.constant 0 : i32
        %dma_start3A_543 = arith.constant 0 : i32
        %dma_start3A_544 = tpu.memref_slice %arg5[%dma_start3A_541, %dma_start3A_543] : memref<5x128xi32, #tpu.memory_space<vmem>> -> memref<1x128xi32, #tpu.memory_space<vmem>>
        %dma_start3A_545 = tpu.memref_squeeze %dma_start3A_544 : memref<1x128xi32, #tpu.memory_space<vmem>> -> memref<128xi32, #tpu.memory_space<vmem>>
        %dma_start3A_546 = tpu.memref_slice %arg3[%add3A_540] : memref<819200xi32, #tpu.memory_space<hbm>> -> memref<128xi32, #tpu.memory_space<hbm>>
        %dma_start3A_547 = tpu.memref_slice %arg8[%dma_start3A_542] : memref<5x!tpu.dma_semaphore, #tpu.memory_space<semaphore_mem>> -> memref<1x!tpu.dma_semaphore, #tpu.memory_space<semaphore_mem>>
        %dma_start3A_548 = tpu.memref_squeeze %dma_start3A_547 : memref<1x!tpu.dma_semaphore, #tpu.memory_space<semaphore_mem>> -> memref<!tpu.dma_semaphore, #tpu.memory_space<semaphore_mem>>
        %dma_start3A_549 = arith.constant 0 : i32
        %dma_start3A_550 = tpu.memref_slice %arg5[%dma_start3A_541, %dma_start3A_549] : memref<5x128xi32, #tpu.memory_space<vmem>> -> memref<1x128xi32, #tpu.memory_space<vmem>>
        %dma_start3A_551 = tpu.memref_squeeze %dma_start3A_550 : memref<1x128xi32, #tpu.memory_space<vmem>> -> memref<128xi32, #tpu.memory_space<vmem>>
        %dma_start3A_552 = tpu.memref_slice %arg3[%add3A_540] : memref<819200xi32, #tpu.memory_space<hbm>> -> memref<128xi32, #tpu.memory_space<hbm>>
        tpu.enqueue_dma source(%dma_start3A_552 : memref<128xi32, #tpu.memory_space<hbm>>) target(%dma_start3A_551 : memref<128xi32, #tpu.memory_space<vmem>>) target_semaphore(%dma_start3A_548 : memref<!tpu.dma_semaphore, #tpu.memory_space<semaphore_mem>>)
      } else {
      }
      %add3A_306 = arith.constant 128 : i32
      %add3A_307 = arith.addi %add3A_114, %add3A_306 : i32
      %dma_wait3A_308 = arith.constant 1 : i32
      %dma_wait3A_309 = arith.constant 1 : i32
      %dma_wait3A_310 = arith.constant 1 : i32
      %dma_wait3A_311 = arith.constant 0 : i32
      %dma_wait3A_312 = arith.constant 0 : i32
      %dma_wait3A_313 = tpu.memref_slice %arg6[%dma_wait3A_309, %dma_wait3A_311, %dma_wait3A_312] : memref<5x128x128xf32, #tpu.memory_space<vmem>> -> memref<1x128x128xf32, #tpu.memory_space<vmem>>
      %dma_wait3A_314 = tpu.memref_squeeze %dma_wait3A_313 : memref<1x128x128xf32, #tpu.memory_space<vmem>> -> memref<128x128xf32, #tpu.memory_space<vmem>>
      %dma_wait3A_315 = arith.constant 0 : i32
      %dma_wait3A_316 = tpu.memref_slice %arg5[%dma_wait3A_308, %dma_wait3A_315] : memref<5x128xi32, #tpu.memory_space<vmem>> -> memref<1x128xi32, #tpu.memory_space<vmem>>
      %dma_wait3A_317 = tpu.memref_squeeze %dma_wait3A_316 : memref<1x128xi32, #tpu.memory_space<vmem>> -> memref<128xi32, #tpu.memory_space<vmem>>
      %dma_wait3A_318 = arith.constant 0 : i32
      %dma_wait3A_319 = arith.constant 0 : i32
      %dma_wait3A_320 = tpu.memref_slice %arg2[%dma_wait3A_318, %dma_wait3A_319] : memref<1000000x128xf32, #tpu.memory_space<hbm>> -> memref<1000000x128xf32, #tpu.memory_space<hbm>>
      %dma_wait3A_321 = tpu.memref_slice %arg9[%dma_wait3A_310] : memref<5x!tpu.dma_semaphore, #tpu.memory_space<semaphore_mem>> -> memref<1x!tpu.dma_semaphore, #tpu.memory_space<semaphore_mem>>
      %dma_wait3A_322 = tpu.memref_squeeze %dma_wait3A_321 : memref<1x!tpu.dma_semaphore, #tpu.memory_space<semaphore_mem>> -> memref<!tpu.dma_semaphore, #tpu.memory_space<semaphore_mem>>
      tpu.wait_indirect_dma semaphore(%dma_wait3A_322 : memref<!tpu.dma_semaphore, #tpu.memory_space<semaphore_mem>>) src(%dma_wait3A_320 : memref<1000000x128xf32, #tpu.memory_space<hbm>>) dst(%dma_wait3A_314 : memref<128x128xf32, #tpu.memory_space<vmem>>)
      %gt3A_323 = arith.constant 0 : i32
      %gt3A_324 = arith.cmpi sgt, %add3A_111, %gt3A_323 : i32
      %convert_element_type3A_325 = arith.extui %gt3A_324 : i1 to i32
      %cond3A_326 = arith.constant 0 : i32
      %cond3A_327 = arith.cmpi ne, %convert_element_type3A_325, %cond3A_326 : i32
      scf.if %cond3A_327 {
        %dma_wait3A_539 = arith.constant 1 : i32
        %dma_wait3A_540 = arith.constant 1 : i32
        %dma_wait3A_541 = arith.constant 0 : i32
        %dma_wait3A_542 = arith.constant 0 : i32
        %dma_wait3A_543 = tpu.memref_slice %arg7[%dma_wait3A_539, %dma_wait3A_541, %dma_wait3A_542] : memref<2x128x64xf32, #tpu.memory_space<vmem>> -> memref<1x128x64xf32, #tpu.memory_space<vmem>>
        %dma_wait3A_544 = tpu.memref_squeeze %dma_wait3A_543 : memref<1x128x64xf32, #tpu.memory_space<vmem>> -> memref<128x64xf32, #tpu.memory_space<vmem>>
        %dma_wait3A_545 = arith.constant 0 : i32
        %dma_wait3A_546 = tpu.memref_slice %arg4[%mul3A_2, %dma_wait3A_545] : memref<819200x64xf32, #tpu.memory_space<hbm>> -> memref<128x64xf32, #tpu.memory_space<hbm>>
        %dma_wait3A_547 = tpu.memref_slice %arg10[%dma_wait3A_540] : memref<2x!tpu.dma_semaphore, #tpu.memory_space<semaphore_mem>> -> memref<1x!tpu.dma_semaphore, #tpu.memory_space<semaphore_mem>>
        %dma_wait3A_548 = tpu.memref_squeeze %dma_wait3A_547 : memref<1x!tpu.dma_semaphore, #tpu.memory_space<semaphore_mem>> -> memref<!tpu.dma_semaphore, #tpu.memory_space<semaphore_mem>>
        %dma_wait3A_549 = arith.constant 0 : i32
        %dma_wait3A_550 = tpu.memref_slice %arg4[%mul3A_2, %dma_wait3A_549] : memref<819200x64xf32, #tpu.memory_space<hbm>> -> memref<128x64xf32, #tpu.memory_space<hbm>>
        %dma_wait3A_551 = arith.constant 0 : i32
        %dma_wait3A_552 = arith.constant 0 : i32
        %dma_wait3A_553 = tpu.memref_slice %arg7[%dma_wait3A_539, %dma_wait3A_551, %dma_wait3A_552] : memref<2x128x64xf32, #tpu.memory_space<vmem>> -> memref<1x128x64xf32, #tpu.memory_space<vmem>>
        %dma_wait3A_554 = tpu.memref_squeeze %dma_wait3A_553 : memref<1x128x64xf32, #tpu.memory_space<vmem>> -> memref<128x64xf32, #tpu.memory_space<vmem>>
        tpu.wait_dma2 semaphore(%dma_wait3A_548 : memref<!tpu.dma_semaphore, #tpu.memory_space<semaphore_mem>>) src(%dma_wait3A_554 : memref<128x64xf32, #tpu.memory_space<vmem>>) dst(%dma_wait3A_550 : memref<128x64xf32, #tpu.memory_space<hbm>>)
      } else {
      }
      %scan3A_328 = arith.constant 0 : i32
      %scan3A_329 = arith.constant 128 : i32
      %scan3A_330 = arith.addi %scan3A_328, %scan3A_329 : i32
      %scan3A_331 = arith.constant 1 : i32
      scf.for %scan3A_539 = %scan3A_328 to %scan3A_330 step %scan3A_331  : i32 {
        %mul3A_540 = arith.constant 1 : i32
        %mul3A_541 = arith.muli %scan3A_539, %mul3A_540 : i32
        %add3A_542 = arith.constant 0 : i32
        %add3A_543 = arith.addi %add3A_542, %mul3A_541 : i32
        %get3A = arith.constant 1 : i32
        %get3A_544 = arith.index_cast %get3A : i32 to index
        %get3A_545 = arith.index_cast %add3A_543 : i32 to index
        %get3A_546 = arith.constant 0 : index
        %get3A_547 = tpu.vector_load %arg6[%get3A_544, %get3A_545, %get3A_546] {strides = array<i32>} : memref<5x128x128xf32, #tpu.memory_space<vmem>>, vector<1x1x16xf32>,
        %get3A_548 = vector.shape_cast %get3A_547 : vector<1x1x16xf32> to vector<16xf32>
        %swap3A = arith.constant 1 : i32
        %swap3A_549 = arith.index_cast %swap3A : i32 to index
        %swap3A_550 = arith.index_cast %add3A_543 : i32 to index
        %swap3A_551 = arith.constant 0 : index
        %swap3A_552 = tpu.vector_load %arg7[%swap3A_549, %swap3A_550, %swap3A_551] {strides = array<i32>} : memref<2x128x64xf32, #tpu.memory_space<vmem>>, vector<1x1x16xf32>,
        %swap3A_553 = vector.shape_cast %swap3A_552 : vector<1x1x16xf32> to vector<16xf32>
        %swap3A_554 = vector.shape_cast %get3A_548 : vector<16xf32> to vector<1x1x16xf32>
        tpu.vector_store %arg7[%swap3A_549, %swap3A_550, %swap3A_551], %swap3A_554 {strides = array<i32>} : memref<2x128x64xf32, #tpu.memory_space<vmem>>, vector<1x1x16xf32>,
        %get3A_555 = arith.constant 1 : i32
        %get3A_556 = arith.index_cast %get3A_555 : i32 to index
        %get3A_557 = arith.index_cast %add3A_543 : i32 to index
        %get3A_558 = arith.constant 16 : index
        %get3A_559 = tpu.vector_load %arg6[%get3A_556, %get3A_557, %get3A_558] {strides = array<i32>} : memref<5x128x128xf32, #tpu.memory_space<vmem>>, vector<1x1x16xf32>,
        %get3A_560 = vector.shape_cast %get3A_559 : vector<1x1x16xf32> to vector<16xf32>
        %swap3A_561 = arith.constant 1 : i32
        %swap3A_562 = arith.index_cast %swap3A_561 : i32 to index
        %swap3A_563 = arith.index_cast %add3A_543 : i32 to index
        %swap3A_564 = arith.constant 16 : index
        %swap3A_565 = tpu.vector_load %arg7[%swap3A_562, %swap3A_563, %swap3A_564] {strides = array<i32>} : memref<2x128x64xf32, #tpu.memory_space<vmem>>, vector<1x1x16xf32>,
        %swap3A_566 = vector.shape_cast %swap3A_565 : vector<1x1x16xf32> to vector<16xf32>
        %swap3A_567 = vector.shape_cast %get3A_560 : vector<16xf32> to vector<1x1x16xf32>
        tpu.vector_store %arg7[%swap3A_562, %swap3A_563, %swap3A_564], %swap3A_567 {strides = array<i32>} : memref<2x128x64xf32, #tpu.memory_space<vmem>>, vector<1x1x16xf32>,
        %get3A_568 = arith.constant 1 : i32
        %get3A_569 = arith.index_cast %get3A_568 : i32 to index
        %get3A_570 = arith.index_cast %add3A_543 : i32 to index
        %get3A_571 = arith.constant 32 : index
        %get3A_572 = tpu.vector_load %arg6[%get3A_569, %get3A_570, %get3A_571] {strides = array<i32>} : memref<5x128x128xf32, #tpu.memory_space<vmem>>, vector<1x1x16xf32>,
        %get3A_573 = vector.shape_cast %get3A_572 : vector<1x1x16xf32> to vector<16xf32>
        %swap3A_574 = arith.constant 1 : i32
        %swap3A_575 = arith.index_cast %swap3A_574 : i32 to index
        %swap3A_576 = arith.index_cast %add3A_543 : i32 to index
        %swap3A_577 = arith.constant 32 : index
        %swap3A_578 = tpu.vector_load %arg7[%swap3A_575, %swap3A_576, %swap3A_577] {strides = array<i32>} : memref<2x128x64xf32, #tpu.memory_space<vmem>>, vector<1x1x16xf32>,
        %swap3A_579 = vector.shape_cast %swap3A_578 : vector<1x1x16xf32> to vector<16xf32>
        %swap3A_580 = vector.shape_cast %get3A_573 : vector<16xf32> to vector<1x1x16xf32>
        tpu.vector_store %arg7[%swap3A_575, %swap3A_576, %swap3A_577], %swap3A_580 {strides = array<i32>} : memref<2x128x64xf32, #tpu.memory_space<vmem>>, vector<1x1x16xf32>,
        %get3A_581 = arith.constant 1 : i32
        %get3A_582 = arith.index_cast %get3A_581 : i32 to index
        %get3A_583 = arith.index_cast %add3A_543 : i32 to index
        %get3A_584 = arith.constant 48 : index
        %get3A_585 = tpu.vector_load %arg6[%get3A_582, %get3A_583, %get3A_584] {strides = array<i32>} : memref<5x128x128xf32, #tpu.memory_space<vmem>>, vector<1x1x16xf32>,
        %get3A_586 = vector.shape_cast %get3A_585 : vector<1x1x16xf32> to vector<16xf32>
        %swap3A_587 = arith.constant 1 : i32
        %swap3A_588 = arith.index_cast %swap3A_587 : i32 to index
        %swap3A_589 = arith.index_cast %add3A_543 : i32 to index
        %swap3A_590 = arith.constant 48 : index
        %swap3A_591 = tpu.vector_load %arg7[%swap3A_588, %swap3A_589, %swap3A_590] {strides = array<i32>} : memref<2x128x64xf32, #tpu.memory_space<vmem>>, vector<1x1x16xf32>,
        %swap3A_592 = vector.shape_cast %swap3A_591 : vector<1x1x16xf32> to vector<16xf32>
        %swap3A_593 = vector.shape_cast %get3A_586 : vector<16xf32> to vector<1x1x16xf32>
        tpu.vector_store %arg7[%swap3A_588, %swap3A_589, %swap3A_590], %swap3A_593 {strides = array<i32>} : memref<2x128x64xf32, #tpu.memory_space<vmem>>, vector<1x1x16xf32>,
      }
      %scan3A_332 = arith.constant 128 : i32
      %dma_start3A_333 = arith.constant 1 : i32
      %dma_start3A_334 = arith.constant 1 : i32
      %dma_start3A_335 = arith.constant 0 : i32
      %dma_start3A_336 = arith.constant 0 : i32
      %dma_start3A_337 = tpu.memref_slice %arg7[%dma_start3A_333, %dma_start3A_335, %dma_start3A_336] : memref<2x128x64xf32, #tpu.memory_space<vmem>> -> memref<1x128x64xf32, #tpu.memory_space<vmem>>
      %dma_start3A_338 = tpu.memref_squeeze %dma_start3A_337 : memref<1x128x64xf32, #tpu.memory_space<vmem>> -> memref<128x64xf32, #tpu.memory_space<vmem>>
      %dma_start3A_339 = arith.constant 0 : i32
      %dma_start3A_340 = tpu.memref_slice %arg4[%add3A_307, %dma_start3A_339] : memref<819200x64xf32, #tpu.memory_space<hbm>> -> memref<128x64xf32, #tpu.memory_space<hbm>>
      %dma_start3A_341 = tpu.memref_slice %arg10[%dma_start3A_334] : memref<2x!tpu.dma_semaphore, #tpu.memory_space<semaphore_mem>> -> memref<1x!tpu.dma_semaphore, #tpu.memory_space<semaphore_mem>>
      %dma_start3A_342 = tpu.memref_squeeze %dma_start3A_341 : memref<1x!tpu.dma_semaphore, #tpu.memory_space<semaphore_mem>> -> memref<!tpu.dma_semaphore, #tpu.memory_space<semaphore_mem>>
      %dma_start3A_343 = arith.constant 0 : i32
      %dma_start3A_344 = tpu.memref_slice %arg4[%add3A_307, %dma_start3A_343] : memref<819200x64xf32, #tpu.memory_space<hbm>> -> memref<128x64xf32, #tpu.memory_space<hbm>>
      %dma_start3A_345 = arith.constant 0 : i32
      %dma_start3A_346 = arith.constant 0 : i32
      %dma_start3A_347 = tpu.memref_slice %arg7[%dma_start3A_333, %dma_start3A_345, %dma_start3A_346] : memref<2x128x64xf32, #tpu.memory_space<vmem>> -> memref<1x128x64xf32, #tpu.memory_space<vmem>>
      %dma_start3A_348 = tpu.memref_squeeze %dma_start3A_347 : memref<1x128x64xf32, #tpu.memory_space<vmem>> -> memref<128x64xf32, #tpu.memory_space<vmem>>
      tpu.enqueue_dma source(%dma_start3A_348 : memref<128x64xf32, #tpu.memory_space<vmem>>) target(%dma_start3A_344 : memref<128x64xf32, #tpu.memory_space<hbm>>) target_semaphore(%dma_start3A_342 : memref<!tpu.dma_semaphore, #tpu.memory_space<semaphore_mem>>)
      %add3A_349 = arith.constant 1 : i32
      %add3A_350 = arith.addi %add3A_111, %add3A_349 : i32
      %lt3A_351 = arith.constant 40 : i32
      %lt3A_352 = arith.cmpi slt, %add3A_350, %lt3A_351 : i32
      %convert_element_type3A_353 = arith.extui %lt3A_352 : i1 to i32
      %cond3A_354 = arith.constant 0 : i32
      %cond3A_355 = arith.cmpi ne, %convert_element_type3A_353, %cond3A_354 : i32
      scf.if %cond3A_355 {
        %add3A_539 = arith.constant 768 : i32
        %add3A_540 = arith.addi %add3A_114, %add3A_539 : i32
        %dma_start3A_541 = arith.constant 1 : i32
        %dma_start3A_542 = arith.constant 1 : i32
        %dma_start3A_543 = arith.constant 0 : i32
        %dma_start3A_544 = tpu.memref_slice %arg5[%dma_start3A_541, %dma_start3A_543] : memref<5x128xi32, #tpu.memory_space<vmem>> -> memref<1x128xi32, #tpu.memory_space<vmem>>
        %dma_start3A_545 = tpu.memref_squeeze %dma_start3A_544 : memref<1x128xi32, #tpu.memory_space<vmem>> -> memref<128xi32, #tpu.memory_space<vmem>>
        %dma_start3A_546 = tpu.memref_slice %arg3[%add3A_540] : memref<819200xi32, #tpu.memory_space<hbm>> -> memref<128xi32, #tpu.memory_space<hbm>>
        %dma_start3A_547 = tpu.memref_slice %arg8[%dma_start3A_542] : memref<5x!tpu.dma_semaphore, #tpu.memory_space<semaphore_mem>> -> memref<1x!tpu.dma_semaphore, #tpu.memory_space<semaphore_mem>>
        %dma_start3A_548 = tpu.memref_squeeze %dma_start3A_547 : memref<1x!tpu.dma_semaphore, #tpu.memory_space<semaphore_mem>> -> memref<!tpu.dma_semaphore, #tpu.memory_space<semaphore_mem>>
        %dma_start3A_549 = arith.constant 0 : i32
        %dma_start3A_550 = tpu.memref_slice %arg5[%dma_start3A_541, %dma_start3A_549] : memref<5x128xi32, #tpu.memory_space<vmem>> -> memref<1x128xi32, #tpu.memory_space<vmem>>
        %dma_start3A_551 = tpu.memref_squeeze %dma_start3A_550 : memref<1x128xi32, #tpu.memory_space<vmem>> -> memref<128xi32, #tpu.memory_space<vmem>>
        %dma_start3A_552 = tpu.memref_slice %arg3[%add3A_540] : memref<819200xi32, #tpu.memory_space<hbm>> -> memref<128xi32, #tpu.memory_space<hbm>>
        tpu.enqueue_dma source(%dma_start3A_552 : memref<128xi32, #tpu.memory_space<hbm>>) target(%dma_start3A_551 : memref<128xi32, #tpu.memory_space<vmem>>) target_semaphore(%dma_start3A_548 : memref<!tpu.dma_semaphore, #tpu.memory_space<semaphore_mem>>)
      } else {
      }
      %add3A_356 = arith.constant 256 : i32
      %add3A_357 = arith.addi %add3A_114, %add3A_356 : i32
      %dma_wait3A_358 = arith.constant 2 : i32
      %dma_wait3A_359 = arith.constant 2 : i32
      %dma_wait3A_360 = arith.constant 2 : i32
      %dma_wait3A_361 = arith.constant 0 : i32
      %dma_wait3A_362 = arith.constant 0 : i32
      %dma_wait3A_363 = tpu.memref_slice %arg6[%dma_wait3A_359, %dma_wait3A_361, %dma_wait3A_362] : memref<5x128x128xf32, #tpu.memory_space<vmem>> -> memref<1x128x128xf32, #tpu.memory_space<vmem>>
      %dma_wait3A_364 = tpu.memref_squeeze %dma_wait3A_363 : memref<1x128x128xf32, #tpu.memory_space<vmem>> -> memref<128x128xf32, #tpu.memory_space<vmem>>
      %dma_wait3A_365 = arith.constant 0 : i32
      %dma_wait3A_366 = tpu.memref_slice %arg5[%dma_wait3A_358, %dma_wait3A_365] : memref<5x128xi32, #tpu.memory_space<vmem>> -> memref<1x128xi32, #tpu.memory_space<vmem>>
      %dma_wait3A_367 = tpu.memref_squeeze %dma_wait3A_366 : memref<1x128xi32, #tpu.memory_space<vmem>> -> memref<128xi32, #tpu.memory_space<vmem>>
      %dma_wait3A_368 = arith.constant 0 : i32
      %dma_wait3A_369 = arith.constant 0 : i32
      %dma_wait3A_370 = tpu.memref_slice %arg2[%dma_wait3A_368, %dma_wait3A_369] : memref<1000000x128xf32, #tpu.memory_space<hbm>> -> memref<1000000x128xf32, #tpu.memory_space<hbm>>
      %dma_wait3A_371 = tpu.memref_slice %arg9[%dma_wait3A_360] : memref<5x!tpu.dma_semaphore, #tpu.memory_space<semaphore_mem>> -> memref<1x!tpu.dma_semaphore, #tpu.memory_space<semaphore_mem>>
      %dma_wait3A_372 = tpu.memref_squeeze %dma_wait3A_371 : memref<1x!tpu.dma_semaphore, #tpu.memory_space<semaphore_mem>> -> memref<!tpu.dma_semaphore, #tpu.memory_space<semaphore_mem>>
      tpu.wait_indirect_dma semaphore(%dma_wait3A_372 : memref<!tpu.dma_semaphore, #tpu.memory_space<semaphore_mem>>) src(%dma_wait3A_370 : memref<1000000x128xf32, #tpu.memory_space<hbm>>) dst(%dma_wait3A_364 : memref<128x128xf32, #tpu.memory_space<vmem>>)
      %dma_wait3A_373 = arith.constant 0 : i32
      %dma_wait3A_374 = arith.constant 0 : i32
      %dma_wait3A_375 = arith.constant 0 : i32
      %dma_wait3A_376 = arith.constant 0 : i32
      %dma_wait3A_377 = tpu.memref_slice %arg7[%dma_wait3A_373, %dma_wait3A_375, %dma_wait3A_376] : memref<2x128x64xf32, #tpu.memory_space<vmem>> -> memref<1x128x64xf32, #tpu.memory_space<vmem>>
      %dma_wait3A_378 = tpu.memref_squeeze %dma_wait3A_377 : memref<1x128x64xf32, #tpu.memory_space<vmem>> -> memref<128x64xf32, #tpu.memory_space<vmem>>
      %dma_wait3A_379 = arith.constant 0 : i32
      %dma_wait3A_380 = tpu.memref_slice %arg4[%mul3A_2, %dma_wait3A_379] : memref<819200x64xf32, #tpu.memory_space<hbm>> -> memref<128x64xf32, #tpu.memory_space<hbm>>
      %dma_wait3A_381 = tpu.memref_slice %arg10[%dma_wait3A_374] : memref<2x!tpu.dma_semaphore, #tpu.memory_space<semaphore_mem>> -> memref<1x!tpu.dma_semaphore, #tpu.memory_space<semaphore_mem>>
      %dma_wait3A_382 = tpu.memref_squeeze %dma_wait3A_381 : memref<1x!tpu.dma_semaphore, #tpu.memory_space<semaphore_mem>> -> memref<!tpu.dma_semaphore, #tpu.memory_space<semaphore_mem>>
      %dma_wait3A_383 = arith.constant 0 : i32
      %dma_wait3A_384 = tpu.memref_slice %arg4[%mul3A_2, %dma_wait3A_383] : memref<819200x64xf32, #tpu.memory_space<hbm>> -> memref<128x64xf32, #tpu.memory_space<hbm>>
      %dma_wait3A_385 = arith.constant 0 : i32
      %dma_wait3A_386 = arith.constant 0 : i32
      %dma_wait3A_387 = tpu.memref_slice %arg7[%dma_wait3A_373, %dma_wait3A_385, %dma_wait3A_386] : memref<2x128x64xf32, #tpu.memory_space<vmem>> -> memref<1x128x64xf32, #tpu.memory_space<vmem>>
      %dma_wait3A_388 = tpu.memref_squeeze %dma_wait3A_387 : memref<1x128x64xf32, #tpu.memory_space<vmem>> -> memref<128x64xf32, #tpu.memory_space<vmem>>
      tpu.wait_dma2 semaphore(%dma_wait3A_382 : memref<!tpu.dma_semaphore, #tpu.memory_space<semaphore_mem>>) src(%dma_wait3A_388 : memref<128x64xf32, #tpu.memory_space<vmem>>) dst(%dma_wait3A_384 : memref<128x64xf32, #tpu.memory_space<hbm>>)
      %scan3A_389 = arith.constant 0 : i32
      %scan3A_390 = arith.constant 128 : i32
      %scan3A_391 = arith.addi %scan3A_389, %scan3A_390 : i32
      %scan3A_392 = arith.constant 1 : i32
      scf.for %scan3A_539 = %scan3A_389 to %scan3A_391 step %scan3A_392  : i32 {
        %mul3A_540 = arith.constant 1 : i32
        %mul3A_541 = arith.muli %scan3A_539, %mul3A_540 : i32
        %add3A_542 = arith.constant 0 : i32
        %add3A_543 = arith.addi %add3A_542, %mul3A_541 : i32
        %get3A = arith.constant 2 : i32
        %get3A_544 = arith.index_cast %get3A : i32 to index
        %get3A_545 = arith.index_cast %add3A_543 : i32 to index
        %get3A_546 = arith.constant 0 : index
        %get3A_547 = tpu.vector_load %arg6[%get3A_544, %get3A_545, %get3A_546] {strides = array<i32>} : memref<5x128x128xf32, #tpu.memory_space<vmem>>, vector<1x1x16xf32>,
        %get3A_548 = vector.shape_cast %get3A_547 : vector<1x1x16xf32> to vector<16xf32>
        %swap3A = arith.constant 0 : i32
        %swap3A_549 = arith.index_cast %swap3A : i32 to index
        %swap3A_550 = arith.index_cast %add3A_543 : i32 to index
        %swap3A_551 = arith.constant 0 : index
        %swap3A_552 = tpu.vector_load %arg7[%swap3A_549, %swap3A_550, %swap3A_551] {strides = array<i32>} : memref<2x128x64xf32, #tpu.memory_space<vmem>>, vector<1x1x16xf32>,
        %swap3A_553 = vector.shape_cast %swap3A_552 : vector<1x1x16xf32> to vector<16xf32>
        %swap3A_554 = vector.shape_cast %get3A_548 : vector<16xf32> to vector<1x1x16xf32>
        tpu.vector_store %arg7[%swap3A_549, %swap3A_550, %swap3A_551], %swap3A_554 {strides = array<i32>} : memref<2x128x64xf32, #tpu.memory_space<vmem>>, vector<1x1x16xf32>,
        %get3A_555 = arith.constant 2 : i32
        %get3A_556 = arith.index_cast %get3A_555 : i32 to index
        %get3A_557 = arith.index_cast %add3A_543 : i32 to index
        %get3A_558 = arith.constant 16 : index
        %get3A_559 = tpu.vector_load %arg6[%get3A_556, %get3A_557, %get3A_558] {strides = array<i32>} : memref<5x128x128xf32, #tpu.memory_space<vmem>>, vector<1x1x16xf32>,
        %get3A_560 = vector.shape_cast %get3A_559 : vector<1x1x16xf32> to vector<16xf32>
        %swap3A_561 = arith.constant 0 : i32
        %swap3A_562 = arith.index_cast %swap3A_561 : i32 to index
        %swap3A_563 = arith.index_cast %add3A_543 : i32 to index
        %swap3A_564 = arith.constant 16 : index
        %swap3A_565 = tpu.vector_load %arg7[%swap3A_562, %swap3A_563, %swap3A_564] {strides = array<i32>} : memref<2x128x64xf32, #tpu.memory_space<vmem>>, vector<1x1x16xf32>,
        %swap3A_566 = vector.shape_cast %swap3A_565 : vector<1x1x16xf32> to vector<16xf32>
        %swap3A_567 = vector.shape_cast %get3A_560 : vector<16xf32> to vector<1x1x16xf32>
        tpu.vector_store %arg7[%swap3A_562, %swap3A_563, %swap3A_564], %swap3A_567 {strides = array<i32>} : memref<2x128x64xf32, #tpu.memory_space<vmem>>, vector<1x1x16xf32>,
        %get3A_568 = arith.constant 2 : i32
        %get3A_569 = arith.index_cast %get3A_568 : i32 to index
        %get3A_570 = arith.index_cast %add3A_543 : i32 to index
        %get3A_571 = arith.constant 32 : index
        %get3A_572 = tpu.vector_load %arg6[%get3A_569, %get3A_570, %get3A_571] {strides = array<i32>} : memref<5x128x128xf32, #tpu.memory_space<vmem>>, vector<1x1x16xf32>,
        %get3A_573 = vector.shape_cast %get3A_572 : vector<1x1x16xf32> to vector<16xf32>
        %swap3A_574 = arith.constant 0 : i32
        %swap3A_575 = arith.index_cast %swap3A_574 : i32 to index
        %swap3A_576 = arith.index_cast %add3A_543 : i32 to index
        %swap3A_577 = arith.constant 32 : index
        %swap3A_578 = tpu.vector_load %arg7[%swap3A_575, %swap3A_576, %swap3A_577] {strides = array<i32>} : memref<2x128x64xf32, #tpu.memory_space<vmem>>, vector<1x1x16xf32>,
        %swap3A_579 = vector.shape_cast %swap3A_578 : vector<1x1x16xf32> to vector<16xf32>
        %swap3A_580 = vector.shape_cast %get3A_573 : vector<16xf32> to vector<1x1x16xf32>
        tpu.vector_store %arg7[%swap3A_575, %swap3A_576, %swap3A_577], %swap3A_580 {strides = array<i32>} : memref<2x128x64xf32, #tpu.memory_space<vmem>>, vector<1x1x16xf32>,
        %get3A_581 = arith.constant 2 : i32
        %get3A_582 = arith.index_cast %get3A_581 : i32 to index
        %get3A_583 = arith.index_cast %add3A_543 : i32 to index
        %get3A_584 = arith.constant 48 : index
        %get3A_585 = tpu.vector_load %arg6[%get3A_582, %get3A_583, %get3A_584] {strides = array<i32>} : memref<5x128x128xf32, #tpu.memory_space<vmem>>, vector<1x1x16xf32>,
        %get3A_586 = vector.shape_cast %get3A_585 : vector<1x1x16xf32> to vector<16xf32>
        %swap3A_587 = arith.constant 0 : i32
        %swap3A_588 = arith.index_cast %swap3A_587 : i32 to index
        %swap3A_589 = arith.index_cast %add3A_543 : i32 to index
        %swap3A_590 = arith.constant 48 : index
        %swap3A_591 = tpu.vector_load %arg7[%swap3A_588, %swap3A_589, %swap3A_590] {strides = array<i32>} : memref<2x128x64xf32, #tpu.memory_space<vmem>>, vector<1x1x16xf32>,
        %swap3A_592 = vector.shape_cast %swap3A_591 : vector<1x1x16xf32> to vector<16xf32>
        %swap3A_593 = vector.shape_cast %get3A_586 : vector<16xf32> to vector<1x1x16xf32>
        tpu.vector_store %arg7[%swap3A_588, %swap3A_589, %swap3A_590], %swap3A_593 {strides = array<i32>} : memref<2x128x64xf32, #tpu.memory_space<vmem>>, vector<1x1x16xf32>,
      }
      %scan3A_393 = arith.constant 128 : i32
      %dma_start3A_394 = arith.constant 0 : i32
      %dma_start3A_395 = arith.constant 0 : i32
      %dma_start3A_396 = arith.constant 0 : i32
      %dma_start3A_397 = arith.constant 0 : i32
      %dma_start3A_398 = tpu.memref_slice %arg7[%dma_start3A_394, %dma_start3A_396, %dma_start3A_397] : memref<2x128x64xf32, #tpu.memory_space<vmem>> -> memref<1x128x64xf32, #tpu.memory_space<vmem>>
      %dma_start3A_399 = tpu.memref_squeeze %dma_start3A_398 : memref<1x128x64xf32, #tpu.memory_space<vmem>> -> memref<128x64xf32, #tpu.memory_space<vmem>>
      %dma_start3A_400 = arith.constant 0 : i32
      %dma_start3A_401 = tpu.memref_slice %arg4[%add3A_357, %dma_start3A_400] : memref<819200x64xf32, #tpu.memory_space<hbm>> -> memref<128x64xf32, #tpu.memory_space<hbm>>
      %dma_start3A_402 = tpu.memref_slice %arg10[%dma_start3A_395] : memref<2x!tpu.dma_semaphore, #tpu.memory_space<semaphore_mem>> -> memref<1x!tpu.dma_semaphore, #tpu.memory_space<semaphore_mem>>
      %dma_start3A_403 = tpu.memref_squeeze %dma_start3A_402 : memref<1x!tpu.dma_semaphore, #tpu.memory_space<semaphore_mem>> -> memref<!tpu.dma_semaphore, #tpu.memory_space<semaphore_mem>>
      %dma_start3A_404 = arith.constant 0 : i32
      %dma_start3A_405 = tpu.memref_slice %arg4[%add3A_357, %dma_start3A_404] : memref<819200x64xf32, #tpu.memory_space<hbm>> -> memref<128x64xf32, #tpu.memory_space<hbm>>
      %dma_start3A_406 = arith.constant 0 : i32
      %dma_start3A_407 = arith.constant 0 : i32
      %dma_start3A_408 = tpu.memref_slice %arg7[%dma_start3A_394, %dma_start3A_406, %dma_start3A_407] : memref<2x128x64xf32, #tpu.memory_space<vmem>> -> memref<1x128x64xf32, #tpu.memory_space<vmem>>
      %dma_start3A_409 = tpu.memref_squeeze %dma_start3A_408 : memref<1x128x64xf32, #tpu.memory_space<vmem>> -> memref<128x64xf32, #tpu.memory_space<vmem>>
      tpu.enqueue_dma source(%dma_start3A_409 : memref<128x64xf32, #tpu.memory_space<vmem>>) target(%dma_start3A_405 : memref<128x64xf32, #tpu.memory_space<hbm>>) target_semaphore(%dma_start3A_403 : memref<!tpu.dma_semaphore, #tpu.memory_space<semaphore_mem>>)
      %add3A_410 = arith.constant 1 : i32
      %add3A_411 = arith.addi %add3A_111, %add3A_410 : i32
      %lt3A_412 = arith.constant 40 : i32
      %lt3A_413 = arith.cmpi slt, %add3A_411, %lt3A_412 : i32
      %convert_element_type3A_414 = arith.extui %lt3A_413 : i1 to i32
      %cond3A_415 = arith.constant 0 : i32
      %cond3A_416 = arith.cmpi ne, %convert_element_type3A_414, %cond3A_415 : i32
      scf.if %cond3A_416 {
        %add3A_539 = arith.constant 896 : i32
        %add3A_540 = arith.addi %add3A_114, %add3A_539 : i32
        %dma_start3A_541 = arith.constant 2 : i32
        %dma_start3A_542 = arith.constant 2 : i32
        %dma_start3A_543 = arith.constant 0 : i32
        %dma_start3A_544 = tpu.memref_slice %arg5[%dma_start3A_541, %dma_start3A_543] : memref<5x128xi32, #tpu.memory_space<vmem>> -> memref<1x128xi32, #tpu.memory_space<vmem>>
        %dma_start3A_545 = tpu.memref_squeeze %dma_start3A_544 : memref<1x128xi32, #tpu.memory_space<vmem>> -> memref<128xi32, #tpu.memory_space<vmem>>
        %dma_start3A_546 = tpu.memref_slice %arg3[%add3A_540] : memref<819200xi32, #tpu.memory_space<hbm>> -> memref<128xi32, #tpu.memory_space<hbm>>
        %dma_start3A_547 = tpu.memref_slice %arg8[%dma_start3A_542] : memref<5x!tpu.dma_semaphore, #tpu.memory_space<semaphore_mem>> -> memref<1x!tpu.dma_semaphore, #tpu.memory_space<semaphore_mem>>
        %dma_start3A_548 = tpu.memref_squeeze %dma_start3A_547 : memref<1x!tpu.dma_semaphore, #tpu.memory_space<semaphore_mem>> -> memref<!tpu.dma_semaphore, #tpu.memory_space<semaphore_mem>>
        %dma_start3A_549 = arith.constant 0 : i32
        %dma_start3A_550 = tpu.memref_slice %arg5[%dma_start3A_541, %dma_start3A_549] : memref<5x128xi32, #tpu.memory_space<vmem>> -> memref<1x128xi32, #tpu.memory_space<vmem>>
        %dma_start3A_551 = tpu.memref_squeeze %dma_start3A_550 : memref<1x128xi32, #tpu.memory_space<vmem>> -> memref<128xi32, #tpu.memory_space<vmem>>
        %dma_start3A_552 = tpu.memref_slice %arg3[%add3A_540] : memref<819200xi32, #tpu.memory_space<hbm>> -> memref<128xi32, #tpu.memory_space<hbm>>
        tpu.enqueue_dma source(%dma_start3A_552 : memref<128xi32, #tpu.memory_space<hbm>>) target(%dma_start3A_551 : memref<128xi32, #tpu.memory_space<vmem>>) target_semaphore(%dma_start3A_548 : memref<!tpu.dma_semaphore, #tpu.memory_space<semaphore_mem>>)
      } else {
      }
      %add3A_417 = arith.constant 384 : i32
      %add3A_418 = arith.addi %add3A_114, %add3A_417 : i32
      %dma_wait3A_419 = arith.constant 3 : i32
      %dma_wait3A_420 = arith.constant 3 : i32
      %dma_wait3A_421 = arith.constant 3 : i32
      %dma_wait3A_422 = arith.constant 0 : i32
      %dma_wait3A_423 = arith.constant 0 : i32
      %dma_wait3A_424 = tpu.memref_slice %arg6[%dma_wait3A_420, %dma_wait3A_422, %dma_wait3A_423] : memref<5x128x128xf32, #tpu.memory_space<vmem>> -> memref<1x128x128xf32, #tpu.memory_space<vmem>>
      %dma_wait3A_425 = tpu.memref_squeeze %dma_wait3A_424 : memref<1x128x128xf32, #tpu.memory_space<vmem>> -> memref<128x128xf32, #tpu.memory_space<vmem>>
      %dma_wait3A_426 = arith.constant 0 : i32
      %dma_wait3A_427 = tpu.memref_slice %arg5[%dma_wait3A_419, %dma_wait3A_426] : memref<5x128xi32, #tpu.memory_space<vmem>> -> memref<1x128xi32, #tpu.memory_space<vmem>>
      %dma_wait3A_428 = tpu.memref_squeeze %dma_wait3A_427 : memref<1x128xi32, #tpu.memory_space<vmem>> -> memref<128xi32, #tpu.memory_space<vmem>>
      %dma_wait3A_429 = arith.constant 0 : i32
      %dma_wait3A_430 = arith.constant 0 : i32
      %dma_wait3A_431 = tpu.memref_slice %arg2[%dma_wait3A_429, %dma_wait3A_430] : memref<1000000x128xf32, #tpu.memory_space<hbm>> -> memref<1000000x128xf32, #tpu.memory_space<hbm>>
      %dma_wait3A_432 = tpu.memref_slice %arg9[%dma_wait3A_421] : memref<5x!tpu.dma_semaphore, #tpu.memory_space<semaphore_mem>> -> memref<1x!tpu.dma_semaphore, #tpu.memory_space<semaphore_mem>>
      %dma_wait3A_433 = tpu.memref_squeeze %dma_wait3A_432 : memref<1x!tpu.dma_semaphore, #tpu.memory_space<semaphore_mem>> -> memref<!tpu.dma_semaphore, #tpu.memory_space<semaphore_mem>>
      tpu.wait_indirect_dma semaphore(%dma_wait3A_433 : memref<!tpu.dma_semaphore, #tpu.memory_space<semaphore_mem>>) src(%dma_wait3A_431 : memref<1000000x128xf32, #tpu.memory_space<hbm>>) dst(%dma_wait3A_425 : memref<128x128xf32, #tpu.memory_space<vmem>>)
      %dma_wait3A_434 = arith.constant 1 : i32
      %dma_wait3A_435 = arith.constant 1 : i32
      %dma_wait3A_436 = arith.constant 0 : i32
      %dma_wait3A_437 = arith.constant 0 : i32
      %dma_wait3A_438 = tpu.memref_slice %arg7[%dma_wait3A_434, %dma_wait3A_436, %dma_wait3A_437] : memref<2x128x64xf32, #tpu.memory_space<vmem>> -> memref<1x128x64xf32, #tpu.memory_space<vmem>>
      %dma_wait3A_439 = tpu.memref_squeeze %dma_wait3A_438 : memref<1x128x64xf32, #tpu.memory_space<vmem>> -> memref<128x64xf32, #tpu.memory_space<vmem>>
      %dma_wait3A_440 = arith.constant 0 : i32
      %dma_wait3A_441 = tpu.memref_slice %arg4[%mul3A_2, %dma_wait3A_440] : memref<819200x64xf32, #tpu.memory_space<hbm>> -> memref<128x64xf32, #tpu.memory_space<hbm>>
      %dma_wait3A_442 = tpu.memref_slice %arg10[%dma_wait3A_435] : memref<2x!tpu.dma_semaphore, #tpu.memory_space<semaphore_mem>> -> memref<1x!tpu.dma_semaphore, #tpu.memory_space<semaphore_mem>>
      %dma_wait3A_443 = tpu.memref_squeeze %dma_wait3A_442 : memref<1x!tpu.dma_semaphore, #tpu.memory_space<semaphore_mem>> -> memref<!tpu.dma_semaphore, #tpu.memory_space<semaphore_mem>>
      %dma_wait3A_444 = arith.constant 0 : i32
      %dma_wait3A_445 = tpu.memref_slice %arg4[%mul3A_2, %dma_wait3A_444] : memref<819200x64xf32, #tpu.memory_space<hbm>> -> memref<128x64xf32, #tpu.memory_space<hbm>>
      %dma_wait3A_446 = arith.constant 0 : i32
      %dma_wait3A_447 = arith.constant 0 : i32
      %dma_wait3A_448 = tpu.memref_slice %arg7[%dma_wait3A_434, %dma_wait3A_446, %dma_wait3A_447] : memref<2x128x64xf32, #tpu.memory_space<vmem>> -> memref<1x128x64xf32, #tpu.memory_space<vmem>>
      %dma_wait3A_449 = tpu.memref_squeeze %dma_wait3A_448 : memref<1x128x64xf32, #tpu.memory_space<vmem>> -> memref<128x64xf32, #tpu.memory_space<vmem>>
      tpu.wait_dma2 semaphore(%dma_wait3A_443 : memref<!tpu.dma_semaphore, #tpu.memory_space<semaphore_mem>>) src(%dma_wait3A_449 : memref<128x64xf32, #tpu.memory_space<vmem>>) dst(%dma_wait3A_445 : memref<128x64xf32, #tpu.memory_space<hbm>>)
      %scan3A_450 = arith.constant 0 : i32
      %scan3A_451 = arith.constant 128 : i32
      %scan3A_452 = arith.addi %scan3A_450, %scan3A_451 : i32
      %scan3A_453 = arith.constant 1 : i32
      scf.for %scan3A_539 = %scan3A_450 to %scan3A_452 step %scan3A_453  : i32 {
        %mul3A_540 = arith.constant 1 : i32
        %mul3A_541 = arith.muli %scan3A_539, %mul3A_540 : i32
        %add3A_542 = arith.constant 0 : i32
        %add3A_543 = arith.addi %add3A_542, %mul3A_541 : i32
        %get3A = arith.constant 3 : i32
        %get3A_544 = arith.index_cast %get3A : i32 to index
        %get3A_545 = arith.index_cast %add3A_543 : i32 to index
        %get3A_546 = arith.constant 0 : index
        %get3A_547 = tpu.vector_load %arg6[%get3A_544, %get3A_545, %get3A_546] {strides = array<i32>} : memref<5x128x128xf32, #tpu.memory_space<vmem>>, vector<1x1x16xf32>,
        %get3A_548 = vector.shape_cast %get3A_547 : vector<1x1x16xf32> to vector<16xf32>
        %swap3A = arith.constant 1 : i32
        %swap3A_549 = arith.index_cast %swap3A : i32 to index
        %swap3A_550 = arith.index_cast %add3A_543 : i32 to index
        %swap3A_551 = arith.constant 0 : index
        %swap3A_552 = tpu.vector_load %arg7[%swap3A_549, %swap3A_550, %swap3A_551] {strides = array<i32>} : memref<2x128x64xf32, #tpu.memory_space<vmem>>, vector<1x1x16xf32>,
        %swap3A_553 = vector.shape_cast %swap3A_552 : vector<1x1x16xf32> to vector<16xf32>
        %swap3A_554 = vector.shape_cast %get3A_548 : vector<16xf32> to vector<1x1x16xf32>
        tpu.vector_store %arg7[%swap3A_549, %swap3A_550, %swap3A_551], %swap3A_554 {strides = array<i32>} : memref<2x128x64xf32, #tpu.memory_space<vmem>>, vector<1x1x16xf32>,
        %get3A_555 = arith.constant 3 : i32
        %get3A_556 = arith.index_cast %get3A_555 : i32 to index
        %get3A_557 = arith.index_cast %add3A_543 : i32 to index
        %get3A_558 = arith.constant 16 : index
        %get3A_559 = tpu.vector_load %arg6[%get3A_556, %get3A_557, %get3A_558] {strides = array<i32>} : memref<5x128x128xf32, #tpu.memory_space<vmem>>, vector<1x1x16xf32>,
        %get3A_560 = vector.shape_cast %get3A_559 : vector<1x1x16xf32> to vector<16xf32>
        %swap3A_561 = arith.constant 1 : i32
        %swap3A_562 = arith.index_cast %swap3A_561 : i32 to index
        %swap3A_563 = arith.index_cast %add3A_543 : i32 to index
        %swap3A_564 = arith.constant 16 : index
        %swap3A_565 = tpu.vector_load %arg7[%swap3A_562, %swap3A_563, %swap3A_564] {strides = array<i32>} : memref<2x128x64xf32, #tpu.memory_space<vmem>>, vector<1x1x16xf32>,
        %swap3A_566 = vector.shape_cast %swap3A_565 : vector<1x1x16xf32> to vector<16xf32>
        %swap3A_567 = vector.shape_cast %get3A_560 : vector<16xf32> to vector<1x1x16xf32>
        tpu.vector_store %arg7[%swap3A_562, %swap3A_563, %swap3A_564], %swap3A_567 {strides = array<i32>} : memref<2x128x64xf32, #tpu.memory_space<vmem>>, vector<1x1x16xf32>,
        %get3A_568 = arith.constant 3 : i32
        %get3A_569 = arith.index_cast %get3A_568 : i32 to index
        %get3A_570 = arith.index_cast %add3A_543 : i32 to index
        %get3A_571 = arith.constant 32 : index
        %get3A_572 = tpu.vector_load %arg6[%get3A_569, %get3A_570, %get3A_571] {strides = array<i32>} : memref<5x128x128xf32, #tpu.memory_space<vmem>>, vector<1x1x16xf32>,
        %get3A_573 = vector.shape_cast %get3A_572 : vector<1x1x16xf32> to vector<16xf32>
        %swap3A_574 = arith.constant 1 : i32
        %swap3A_575 = arith.index_cast %swap3A_574 : i32 to index
        %swap3A_576 = arith.index_cast %add3A_543 : i32 to index
        %swap3A_577 = arith.constant 32 : index
        %swap3A_578 = tpu.vector_load %arg7[%swap3A_575, %swap3A_576, %swap3A_577] {strides = array<i32>} : memref<2x128x64xf32, #tpu.memory_space<vmem>>, vector<1x1x16xf32>,
        %swap3A_579 = vector.shape_cast %swap3A_578 : vector<1x1x16xf32> to vector<16xf32>
        %swap3A_580 = vector.shape_cast %get3A_573 : vector<16xf32> to vector<1x1x16xf32>
        tpu.vector_store %arg7[%swap3A_575, %swap3A_576, %swap3A_577], %swap3A_580 {strides = array<i32>} : memref<2x128x64xf32, #tpu.memory_space<vmem>>, vector<1x1x16xf32>,
        %get3A_581 = arith.constant 3 : i32
        %get3A_582 = arith.index_cast %get3A_581 : i32 to index
        %get3A_583 = arith.index_cast %add3A_543 : i32 to index
        %get3A_584 = arith.constant 48 : index
        %get3A_585 = tpu.vector_load %arg6[%get3A_582, %get3A_583, %get3A_584] {strides = array<i32>} : memref<5x128x128xf32, #tpu.memory_space<vmem>>, vector<1x1x16xf32>,
        %get3A_586 = vector.shape_cast %get3A_585 : vector<1x1x16xf32> to vector<16xf32>
        %swap3A_587 = arith.constant 1 : i32
        %swap3A_588 = arith.index_cast %swap3A_587 : i32 to index
        %swap3A_589 = arith.index_cast %add3A_543 : i32 to index
        %swap3A_590 = arith.constant 48 : index
        %swap3A_591 = tpu.vector_load %arg7[%swap3A_588, %swap3A_589, %swap3A_590] {strides = array<i32>} : memref<2x128x64xf32, #tpu.memory_space<vmem>>, vector<1x1x16xf32>,
        %swap3A_592 = vector.shape_cast %swap3A_591 : vector<1x1x16xf32> to vector<16xf32>
        %swap3A_593 = vector.shape_cast %get3A_586 : vector<16xf32> to vector<1x1x16xf32>
        tpu.vector_store %arg7[%swap3A_588, %swap3A_589, %swap3A_590], %swap3A_593 {strides = array<i32>} : memref<2x128x64xf32, #tpu.memory_space<vmem>>, vector<1x1x16xf32>,
      }
      %scan3A_454 = arith.constant 128 : i32
      %dma_start3A_455 = arith.constant 1 : i32
      %dma_start3A_456 = arith.constant 1 : i32
      %dma_start3A_457 = arith.constant 0 : i32
      %dma_start3A_458 = arith.constant 0 : i32
      %dma_start3A_459 = tpu.memref_slice %arg7[%dma_start3A_455, %dma_start3A_457, %dma_start3A_458] : memref<2x128x64xf32, #tpu.memory_space<vmem>> -> memref<1x128x64xf32, #tpu.memory_space<vmem>>
      %dma_start3A_460 = tpu.memref_squeeze %dma_start3A_459 : memref<1x128x64xf32, #tpu.memory_space<vmem>> -> memref<128x64xf32, #tpu.memory_space<vmem>>
      %dma_start3A_461 = arith.constant 0 : i32
      %dma_start3A_462 = tpu.memref_slice %arg4[%add3A_418, %dma_start3A_461] : memref<819200x64xf32, #tpu.memory_space<hbm>> -> memref<128x64xf32, #tpu.memory_space<hbm>>
      %dma_start3A_463 = tpu.memref_slice %arg10[%dma_start3A_456] : memref<2x!tpu.dma_semaphore, #tpu.memory_space<semaphore_mem>> -> memref<1x!tpu.dma_semaphore, #tpu.memory_space<semaphore_mem>>
      %dma_start3A_464 = tpu.memref_squeeze %dma_start3A_463 : memref<1x!tpu.dma_semaphore, #tpu.memory_space<semaphore_mem>> -> memref<!tpu.dma_semaphore, #tpu.memory_space<semaphore_mem>>
      %dma_start3A_465 = arith.constant 0 : i32
      %dma_start3A_466 = tpu.memref_slice %arg4[%add3A_418, %dma_start3A_465] : memref<819200x64xf32, #tpu.memory_space<hbm>> -> memref<128x64xf32, #tpu.memory_space<hbm>>
      %dma_start3A_467 = arith.constant 0 : i32
      %dma_start3A_468 = arith.constant 0 : i32
      %dma_start3A_469 = tpu.memref_slice %arg7[%dma_start3A_455, %dma_start3A_467, %dma_start3A_468] : memref<2x128x64xf32, #tpu.memory_space<vmem>> -> memref<1x128x64xf32, #tpu.memory_space<vmem>>
      %dma_start3A_470 = tpu.memref_squeeze %dma_start3A_469 : memref<1x128x64xf32, #tpu.memory_space<vmem>> -> memref<128x64xf32, #tpu.memory_space<vmem>>
      tpu.enqueue_dma source(%dma_start3A_470 : memref<128x64xf32, #tpu.memory_space<vmem>>) target(%dma_start3A_466 : memref<128x64xf32, #tpu.memory_space<hbm>>) target_semaphore(%dma_start3A_464 : memref<!tpu.dma_semaphore, #tpu.memory_space<semaphore_mem>>)
      %add3A_471 = arith.constant 1 : i32
      %add3A_472 = arith.addi %add3A_111, %add3A_471 : i32
      %lt3A_473 = arith.constant 40 : i32
      %lt3A_474 = arith.cmpi slt, %add3A_472, %lt3A_473 : i32
      %convert_element_type3A_475 = arith.extui %lt3A_474 : i1 to i32
      %cond3A_476 = arith.constant 0 : i32
      %cond3A_477 = arith.cmpi ne, %convert_element_type3A_475, %cond3A_476 : i32
      scf.if %cond3A_477 {
        %add3A_539 = arith.constant 1024 : i32
        %add3A_540 = arith.addi %add3A_114, %add3A_539 : i32
        %dma_start3A_541 = arith.constant 3 : i32
        %dma_start3A_542 = arith.constant 3 : i32
        %dma_start3A_543 = arith.constant 0 : i32
        %dma_start3A_544 = tpu.memref_slice %arg5[%dma_start3A_541, %dma_start3A_543] : memref<5x128xi32, #tpu.memory_space<vmem>> -> memref<1x128xi32, #tpu.memory_space<vmem>>
        %dma_start3A_545 = tpu.memref_squeeze %dma_start3A_544 : memref<1x128xi32, #tpu.memory_space<vmem>> -> memref<128xi32, #tpu.memory_space<vmem>>
        %dma_start3A_546 = tpu.memref_slice %arg3[%add3A_540] : memref<819200xi32, #tpu.memory_space<hbm>> -> memref<128xi32, #tpu.memory_space<hbm>>
        %dma_start3A_547 = tpu.memref_slice %arg8[%dma_start3A_542] : memref<5x!tpu.dma_semaphore, #tpu.memory_space<semaphore_mem>> -> memref<1x!tpu.dma_semaphore, #tpu.memory_space<semaphore_mem>>
        %dma_start3A_548 = tpu.memref_squeeze %dma_start3A_547 : memref<1x!tpu.dma_semaphore, #tpu.memory_space<semaphore_mem>> -> memref<!tpu.dma_semaphore, #tpu.memory_space<semaphore_mem>>
        %dma_start3A_549 = arith.constant 0 : i32
        %dma_start3A_550 = tpu.memref_slice %arg5[%dma_start3A_541, %dma_start3A_549] : memref<5x128xi32, #tpu.memory_space<vmem>> -> memref<1x128xi32, #tpu.memory_space<vmem>>
        %dma_start3A_551 = tpu.memref_squeeze %dma_start3A_550 : memref<1x128xi32, #tpu.memory_space<vmem>> -> memref<128xi32, #tpu.memory_space<vmem>>
        %dma_start3A_552 = tpu.memref_slice %arg3[%add3A_540] : memref<819200xi32, #tpu.memory_space<hbm>> -> memref<128xi32, #tpu.memory_space<hbm>>
        tpu.enqueue_dma source(%dma_start3A_552 : memref<128xi32, #tpu.memory_space<hbm>>) target(%dma_start3A_551 : memref<128xi32, #tpu.memory_space<vmem>>) target_semaphore(%dma_start3A_548 : memref<!tpu.dma_semaphore, #tpu.memory_space<semaphore_mem>>)
      } else {
      }
      %add3A_478 = arith.constant 512 : i32
      %add3A_479 = arith.addi %add3A_114, %add3A_478 : i32
      %dma_wait3A_480 = arith.constant 4 : i32
      %dma_wait3A_481 = arith.constant 4 : i32
      %dma_wait3A_482 = arith.constant 4 : i32
      %dma_wait3A_483 = arith.constant 0 : i32
      %dma_wait3A_484 = arith.constant 0 : i32
      %dma_wait3A_485 = tpu.memref_slice %arg6[%dma_wait3A_481, %dma_wait3A_483, %dma_wait3A_484] : memref<5x128x128xf32, #tpu.memory_space<vmem>> -> memref<1x128x128xf32, #tpu.memory_space<vmem>>
      %dma_wait3A_486 = tpu.memref_squeeze %dma_wait3A_485 : memref<1x128x128xf32, #tpu.memory_space<vmem>> -> memref<128x128xf32, #tpu.memory_space<vmem>>
      %dma_wait3A_487 = arith.constant 0 : i32
      %dma_wait3A_488 = tpu.memref_slice %arg5[%dma_wait3A_480, %dma_wait3A_487] : memref<5x128xi32, #tpu.memory_space<vmem>> -> memref<1x128xi32, #tpu.memory_space<vmem>>
      %dma_wait3A_489 = tpu.memref_squeeze %dma_wait3A_488 : memref<1x128xi32, #tpu.memory_space<vmem>> -> memref<128xi32, #tpu.memory_space<vmem>>
      %dma_wait3A_490 = arith.constant 0 : i32
      %dma_wait3A_491 = arith.constant 0 : i32
      %dma_wait3A_492 = tpu.memref_slice %arg2[%dma_wait3A_490, %dma_wait3A_491] : memref<1000000x128xf32, #tpu.memory_space<hbm>> -> memref<1000000x128xf32, #tpu.memory_space<hbm>>
      %dma_wait3A_493 = tpu.memref_slice %arg9[%dma_wait3A_482] : memref<5x!tpu.dma_semaphore, #tpu.memory_space<semaphore_mem>> -> memref<1x!tpu.dma_semaphore, #tpu.memory_space<semaphore_mem>>
      %dma_wait3A_494 = tpu.memref_squeeze %dma_wait3A_493 : memref<1x!tpu.dma_semaphore, #tpu.memory_space<semaphore_mem>> -> memref<!tpu.dma_semaphore, #tpu.memory_space<semaphore_mem>>
      tpu.wait_indirect_dma semaphore(%dma_wait3A_494 : memref<!tpu.dma_semaphore, #tpu.memory_space<semaphore_mem>>) src(%dma_wait3A_492 : memref<1000000x128xf32, #tpu.memory_space<hbm>>) dst(%dma_wait3A_486 : memref<128x128xf32, #tpu.memory_space<vmem>>)
      %dma_wait3A_495 = arith.constant 0 : i32
      %dma_wait3A_496 = arith.constant 0 : i32
      %dma_wait3A_497 = arith.constant 0 : i32
      %dma_wait3A_498 = arith.constant 0 : i32
      %dma_wait3A_499 = tpu.memref_slice %arg7[%dma_wait3A_495, %dma_wait3A_497, %dma_wait3A_498] : memref<2x128x64xf32, #tpu.memory_space<vmem>> -> memref<1x128x64xf32, #tpu.memory_space<vmem>>
      %dma_wait3A_500 = tpu.memref_squeeze %dma_wait3A_499 : memref<1x128x64xf32, #tpu.memory_space<vmem>> -> memref<128x64xf32, #tpu.memory_space<vmem>>
      %dma_wait3A_501 = arith.constant 0 : i32
      %dma_wait3A_502 = tpu.memref_slice %arg4[%mul3A_2, %dma_wait3A_501] : memref<819200x64xf32, #tpu.memory_space<hbm>> -> memref<128x64xf32, #tpu.memory_space<hbm>>
      %dma_wait3A_503 = tpu.memref_slice %arg10[%dma_wait3A_496] : memref<2x!tpu.dma_semaphore, #tpu.memory_space<semaphore_mem>> -> memref<1x!tpu.dma_semaphore, #tpu.memory_space<semaphore_mem>>
      %dma_wait3A_504 = tpu.memref_squeeze %dma_wait3A_503 : memref<1x!tpu.dma_semaphore, #tpu.memory_space<semaphore_mem>> -> memref<!tpu.dma_semaphore, #tpu.memory_space<semaphore_mem>>
      %dma_wait3A_505 = arith.constant 0 : i32
      %dma_wait3A_506 = tpu.memref_slice %arg4[%mul3A_2, %dma_wait3A_505] : memref<819200x64xf32, #tpu.memory_space<hbm>> -> memref<128x64xf32, #tpu.memory_space<hbm>>
      %dma_wait3A_507 = arith.constant 0 : i32
      %dma_wait3A_508 = arith.constant 0 : i32
      %dma_wait3A_509 = tpu.memref_slice %arg7[%dma_wait3A_495, %dma_wait3A_507, %dma_wait3A_508] : memref<2x128x64xf32, #tpu.memory_space<vmem>> -> memref<1x128x64xf32, #tpu.memory_space<vmem>>
      %dma_wait3A_510 = tpu.memref_squeeze %dma_wait3A_509 : memref<1x128x64xf32, #tpu.memory_space<vmem>> -> memref<128x64xf32, #tpu.memory_space<vmem>>
      tpu.wait_dma2 semaphore(%dma_wait3A_504 : memref<!tpu.dma_semaphore, #tpu.memory_space<semaphore_mem>>) src(%dma_wait3A_510 : memref<128x64xf32, #tpu.memory_space<vmem>>) dst(%dma_wait3A_506 : memref<128x64xf32, #tpu.memory_space<hbm>>)
      %scan3A_511 = arith.constant 0 : i32
      %scan3A_512 = arith.constant 128 : i32
      %scan3A_513 = arith.addi %scan3A_511, %scan3A_512 : i32
      %scan3A_514 = arith.constant 1 : i32
      scf.for %scan3A_539 = %scan3A_511 to %scan3A_513 step %scan3A_514  : i32 {
        %mul3A_540 = arith.constant 1 : i32
        %mul3A_541 = arith.muli %scan3A_539, %mul3A_540 : i32
        %add3A_542 = arith.constant 0 : i32
        %add3A_543 = arith.addi %add3A_542, %mul3A_541 : i32
        %get3A = arith.constant 4 : i32
        %get3A_544 = arith.index_cast %get3A : i32 to index
        %get3A_545 = arith.index_cast %add3A_543 : i32 to index
        %get3A_546 = arith.constant 0 : index
        %get3A_547 = tpu.vector_load %arg6[%get3A_544, %get3A_545, %get3A_546] {strides = array<i32>} : memref<5x128x128xf32, #tpu.memory_space<vmem>>, vector<1x1x16xf32>,
        %get3A_548 = vector.shape_cast %get3A_547 : vector<1x1x16xf32> to vector<16xf32>
        %swap3A = arith.constant 0 : i32
        %swap3A_549 = arith.index_cast %swap3A : i32 to index
        %swap3A_550 = arith.index_cast %add3A_543 : i32 to index
        %swap3A_551 = arith.constant 0 : index
        %swap3A_552 = tpu.vector_load %arg7[%swap3A_549, %swap3A_550, %swap3A_551] {strides = array<i32>} : memref<2x128x64xf32, #tpu.memory_space<vmem>>, vector<1x1x16xf32>,
        %swap3A_553 = vector.shape_cast %swap3A_552 : vector<1x1x16xf32> to vector<16xf32>
        %swap3A_554 = vector.shape_cast %get3A_548 : vector<16xf32> to vector<1x1x16xf32>
        tpu.vector_store %arg7[%swap3A_549, %swap3A_550, %swap3A_551], %swap3A_554 {strides = array<i32>} : memref<2x128x64xf32, #tpu.memory_space<vmem>>, vector<1x1x16xf32>,
        %get3A_555 = arith.constant 4 : i32
        %get3A_556 = arith.index_cast %get3A_555 : i32 to index
        %get3A_557 = arith.index_cast %add3A_543 : i32 to index
        %get3A_558 = arith.constant 16 : index
        %get3A_559 = tpu.vector_load %arg6[%get3A_556, %get3A_557, %get3A_558] {strides = array<i32>} : memref<5x128x128xf32, #tpu.memory_space<vmem>>, vector<1x1x16xf32>,
        %get3A_560 = vector.shape_cast %get3A_559 : vector<1x1x16xf32> to vector<16xf32>
        %swap3A_561 = arith.constant 0 : i32
        %swap3A_562 = arith.index_cast %swap3A_561 : i32 to index
        %swap3A_563 = arith.index_cast %add3A_543 : i32 to index
        %swap3A_564 = arith.constant 16 : index
        %swap3A_565 = tpu.vector_load %arg7[%swap3A_562, %swap3A_563, %swap3A_564] {strides = array<i32>} : memref<2x128x64xf32, #tpu.memory_space<vmem>>, vector<1x1x16xf32>,
        %swap3A_566 = vector.shape_cast %swap3A_565 : vector<1x1x16xf32> to vector<16xf32>
        %swap3A_567 = vector.shape_cast %get3A_560 : vector<16xf32> to vector<1x1x16xf32>
        tpu.vector_store %arg7[%swap3A_562, %swap3A_563, %swap3A_564], %swap3A_567 {strides = array<i32>} : memref<2x128x64xf32, #tpu.memory_space<vmem>>, vector<1x1x16xf32>,
        %get3A_568 = arith.constant 4 : i32
        %get3A_569 = arith.index_cast %get3A_568 : i32 to index
        %get3A_570 = arith.index_cast %add3A_543 : i32 to index
        %get3A_571 = arith.constant 32 : index
        %get3A_572 = tpu.vector_load %arg6[%get3A_569, %get3A_570, %get3A_571] {strides = array<i32>} : memref<5x128x128xf32, #tpu.memory_space<vmem>>, vector<1x1x16xf32>,
        %get3A_573 = vector.shape_cast %get3A_572 : vector<1x1x16xf32> to vector<16xf32>
        %swap3A_574 = arith.constant 0 : i32
        %swap3A_575 = arith.index_cast %swap3A_574 : i32 to index
        %swap3A_576 = arith.index_cast %add3A_543 : i32 to index
        %swap3A_577 = arith.constant 32 : index
        %swap3A_578 = tpu.vector_load %arg7[%swap3A_575, %swap3A_576, %swap3A_577] {strides = array<i32>} : memref<2x128x64xf32, #tpu.memory_space<vmem>>, vector<1x1x16xf32>,
        %swap3A_579 = vector.shape_cast %swap3A_578 : vector<1x1x16xf32> to vector<16xf32>
        %swap3A_580 = vector.shape_cast %get3A_573 : vector<16xf32> to vector<1x1x16xf32>
        tpu.vector_store %arg7[%swap3A_575, %swap3A_576, %swap3A_577], %swap3A_580 {strides = array<i32>} : memref<2x128x64xf32, #tpu.memory_space<vmem>>, vector<1x1x16xf32>,
        %get3A_581 = arith.constant 4 : i32
        %get3A_582 = arith.index_cast %get3A_581 : i32 to index
        %get3A_583 = arith.index_cast %add3A_543 : i32 to index
        %get3A_584 = arith.constant 48 : index
        %get3A_585 = tpu.vector_load %arg6[%get3A_582, %get3A_583, %get3A_584] {strides = array<i32>} : memref<5x128x128xf32, #tpu.memory_space<vmem>>, vector<1x1x16xf32>,
        %get3A_586 = vector.shape_cast %get3A_585 : vector<1x1x16xf32> to vector<16xf32>
        %swap3A_587 = arith.constant 0 : i32
        %swap3A_588 = arith.index_cast %swap3A_587 : i32 to index
        %swap3A_589 = arith.index_cast %add3A_543 : i32 to index
        %swap3A_590 = arith.constant 48 : index
        %swap3A_591 = tpu.vector_load %arg7[%swap3A_588, %swap3A_589, %swap3A_590] {strides = array<i32>} : memref<2x128x64xf32, #tpu.memory_space<vmem>>, vector<1x1x16xf32>,
        %swap3A_592 = vector.shape_cast %swap3A_591 : vector<1x1x16xf32> to vector<16xf32>
        %swap3A_593 = vector.shape_cast %get3A_586 : vector<16xf32> to vector<1x1x16xf32>
        tpu.vector_store %arg7[%swap3A_588, %swap3A_589, %swap3A_590], %swap3A_593 {strides = array<i32>} : memref<2x128x64xf32, #tpu.memory_space<vmem>>, vector<1x1x16xf32>,
      }
      %scan3A_515 = arith.constant 128 : i32
      %dma_start3A_516 = arith.constant 0 : i32
      %dma_start3A_517 = arith.constant 0 : i32
      %dma_start3A_518 = arith.constant 0 : i32
      %dma_start3A_519 = arith.constant 0 : i32
      %dma_start3A_520 = tpu.memref_slice %arg7[%dma_start3A_516, %dma_start3A_518, %dma_start3A_519] : memref<2x128x64xf32, #tpu.memory_space<vmem>> -> memref<1x128x64xf32, #tpu.memory_space<vmem>>
      %dma_start3A_521 = tpu.memref_squeeze %dma_start3A_520 : memref<1x128x64xf32, #tpu.memory_space<vmem>> -> memref<128x64xf32, #tpu.memory_space<vmem>>
      %dma_start3A_522 = arith.constant 0 : i32
      %dma_start3A_523 = tpu.memref_slice %arg4[%add3A_479, %dma_start3A_522] : memref<819200x64xf32, #tpu.memory_space<hbm>> -> memref<128x64xf32, #tpu.memory_space<hbm>>
      %dma_start3A_524 = tpu.memref_slice %arg10[%dma_start3A_517] : memref<2x!tpu.dma_semaphore, #tpu.memory_space<semaphore_mem>> -> memref<1x!tpu.dma_semaphore, #tpu.memory_space<semaphore_mem>>
      %dma_start3A_525 = tpu.memref_squeeze %dma_start3A_524 : memref<1x!tpu.dma_semaphore, #tpu.memory_space<semaphore_mem>> -> memref<!tpu.dma_semaphore, #tpu.memory_space<semaphore_mem>>
      %dma_start3A_526 = arith.constant 0 : i32
      %dma_start3A_527 = tpu.memref_slice %arg4[%add3A_479, %dma_start3A_526] : memref<819200x64xf32, #tpu.memory_space<hbm>> -> memref<128x64xf32, #tpu.memory_space<hbm>>
      %dma_start3A_528 = arith.constant 0 : i32
      %dma_start3A_529 = arith.constant 0 : i32
      %dma_start3A_530 = tpu.memref_slice %arg7[%dma_start3A_516, %dma_start3A_528, %dma_start3A_529] : memref<2x128x64xf32, #tpu.memory_space<vmem>> -> memref<1x128x64xf32, #tpu.memory_space<vmem>>
      %dma_start3A_531 = tpu.memref_squeeze %dma_start3A_530 : memref<1x128x64xf32, #tpu.memory_space<vmem>> -> memref<128x64xf32, #tpu.memory_space<vmem>>
      tpu.enqueue_dma source(%dma_start3A_531 : memref<128x64xf32, #tpu.memory_space<vmem>>) target(%dma_start3A_527 : memref<128x64xf32, #tpu.memory_space<hbm>>) target_semaphore(%dma_start3A_525 : memref<!tpu.dma_semaphore, #tpu.memory_space<semaphore_mem>>)
      %add3A_532 = arith.constant 1 : i32
      %add3A_533 = arith.addi %add3A_111, %add3A_532 : i32
      %lt3A_534 = arith.constant 40 : i32
      %lt3A_535 = arith.cmpi slt, %add3A_533, %lt3A_534 : i32
      %convert_element_type3A_536 = arith.extui %lt3A_535 : i1 to i32
      %cond3A_537 = arith.constant 0 : i32
      %cond3A_538 = arith.cmpi ne, %convert_element_type3A_536, %cond3A_537 : i32
      scf.if %cond3A_538 {
        %add3A_539 = arith.constant 1152 : i32
        %add3A_540 = arith.addi %add3A_114, %add3A_539 : i32
        %dma_start3A_541 = arith.constant 4 : i32
        %dma_start3A_542 = arith.constant 4 : i32
        %dma_start3A_543 = arith.constant 0 : i32
        %dma_start3A_544 = tpu.memref_slice %arg5[%dma_start3A_541, %dma_start3A_543] : memref<5x128xi32, #tpu.memory_space<vmem>> -> memref<1x128xi32, #tpu.memory_space<vmem>>
        %dma_start3A_545 = tpu.memref_squeeze %dma_start3A_544 : memref<1x128xi32, #tpu.memory_space<vmem>> -> memref<128xi32, #tpu.memory_space<vmem>>
        %dma_start3A_546 = tpu.memref_slice %arg3[%add3A_540] : memref<819200xi32, #tpu.memory_space<hbm>> -> memref<128xi32, #tpu.memory_space<hbm>>
        %dma_start3A_547 = tpu.memref_slice %arg8[%dma_start3A_542] : memref<5x!tpu.dma_semaphore, #tpu.memory_space<semaphore_mem>> -> memref<1x!tpu.dma_semaphore, #tpu.memory_space<semaphore_mem>>
        %dma_start3A_548 = tpu.memref_squeeze %dma_start3A_547 : memref<1x!tpu.dma_semaphore, #tpu.memory_space<semaphore_mem>> -> memref<!tpu.dma_semaphore, #tpu.memory_space<semaphore_mem>>
        %dma_start3A_549 = arith.constant 0 : i32
        %dma_start3A_550 = tpu.memref_slice %arg5[%dma_start3A_541, %dma_start3A_549] : memref<5x128xi32, #tpu.memory_space<vmem>> -> memref<1x128xi32, #tpu.memory_space<vmem>>
        %dma_start3A_551 = tpu.memref_squeeze %dma_start3A_550 : memref<1x128xi32, #tpu.memory_space<vmem>> -> memref<128xi32, #tpu.memory_space<vmem>>
        %dma_start3A_552 = tpu.memref_slice %arg3[%add3A_540] : memref<819200xi32, #tpu.memory_space<hbm>> -> memref<128xi32, #tpu.memory_space<hbm>>
        tpu.enqueue_dma source(%dma_start3A_552 : memref<128xi32, #tpu.memory_space<hbm>>) target(%dma_start3A_551 : memref<128xi32, #tpu.memory_space<vmem>>) target_semaphore(%dma_start3A_548 : memref<!tpu.dma_semaphore, #tpu.memory_space<semaphore_mem>>)
      } else {
      }
    }
    %scan3A_75 = arith.constant 40 : i32
    %dma_wait3A = arith.constant 0 : i32
    %dma_wait3A_76 = arith.constant 0 : i32
    %dma_wait3A_77 = arith.constant 0 : i32
    %dma_wait3A_78 = arith.constant 0 : i32
    %dma_wait3A_79 = tpu.memref_slice %arg7[%dma_wait3A, %dma_wait3A_77, %dma_wait3A_78] : memref<2x128x64xf32, #tpu.memory_space<vmem>> -> memref<1x128x64xf32, #tpu.memory_space<vmem>>
    %dma_wait3A_80 = tpu.memref_squeeze %dma_wait3A_79 : memref<1x128x64xf32, #tpu.memory_space<vmem>> -> memref<128x64xf32, #tpu.memory_space<vmem>>
    %dma_wait3A_81 = arith.constant 0 : i32
    %dma_wait3A_82 = tpu.memref_slice %arg4[%mul3A_2, %dma_wait3A_81] : memref<819200x64xf32, #tpu.memory_space<hbm>> -> memref<128x64xf32, #tpu.memory_space<hbm>>
    %dma_wait3A_83 = tpu.memref_slice %arg10[%dma_wait3A_76] : memref<2x!tpu.dma_semaphore, #tpu.memory_space<semaphore_mem>> -> memref<1x!tpu.dma_semaphore, #tpu.memory_space<semaphore_mem>>
    %dma_wait3A_84 = tpu.memref_squeeze %dma_wait3A_83 : memref<1x!tpu.dma_semaphore, #tpu.memory_space<semaphore_mem>> -> memref<!tpu.dma_semaphore, #tpu.memory_space<semaphore_mem>>
    %dma_wait3A_85 = arith.constant 0 : i32
    %dma_wait3A_86 = tpu.memref_slice %arg4[%mul3A_2, %dma_wait3A_85] : memref<819200x64xf32, #tpu.memory_space<hbm>> -> memref<128x64xf32, #tpu.memory_space<hbm>>
    %dma_wait3A_87 = arith.constant 0 : i32
    %dma_wait3A_88 = arith.constant 0 : i32
    %dma_wait3A_89 = tpu.memref_slice %arg7[%dma_wait3A, %dma_wait3A_87, %dma_wait3A_88] : memref<2x128x64xf32, #tpu.memory_space<vmem>> -> memref<1x128x64xf32, #tpu.memory_space<vmem>>
    %dma_wait3A_90 = tpu.memref_squeeze %dma_wait3A_89 : memref<1x128x64xf32, #tpu.memory_space<vmem>> -> memref<128x64xf32, #tpu.memory_space<vmem>>
    tpu.wait_dma2 semaphore(%dma_wait3A_84 : memref<!tpu.dma_semaphore, #tpu.memory_space<semaphore_mem>>) src(%dma_wait3A_90 : memref<128x64xf32, #tpu.memory_space<vmem>>) dst(%dma_wait3A_86 : memref<128x64xf32, #tpu.memory_space<hbm>>)
    %dma_wait3A_91 = arith.constant 1 : i32
    %dma_wait3A_92 = arith.constant 1 : i32
    %dma_wait3A_93 = arith.constant 0 : i32
    %dma_wait3A_94 = arith.constant 0 : i32
    %dma_wait3A_95 = tpu.memref_slice %arg7[%dma_wait3A_91, %dma_wait3A_93, %dma_wait3A_94] : memref<2x128x64xf32, #tpu.memory_space<vmem>> -> memref<1x128x64xf32, #tpu.memory_space<vmem>>
    %dma_wait3A_96 = tpu.memref_squeeze %dma_wait3A_95 : memref<1x128x64xf32, #tpu.memory_space<vmem>> -> memref<128x64xf32, #tpu.memory_space<vmem>>
    %dma_wait3A_97 = arith.constant 0 : i32
    %dma_wait3A_98 = tpu.memref_slice %arg4[%mul3A_2, %dma_wait3A_97] : memref<819200x64xf32, #tpu.memory_space<hbm>> -> memref<128x64xf32, #tpu.memory_space<hbm>>
    %dma_wait3A_99 = tpu.memref_slice %arg10[%dma_wait3A_92] : memref<2x!tpu.dma_semaphore, #tpu.memory_space<semaphore_mem>> -> memref<1x!tpu.dma_semaphore, #tpu.memory_space<semaphore_mem>>
    %dma_wait3A_100 = tpu.memref_squeeze %dma_wait3A_99 : memref<1x!tpu.dma_semaphore, #tpu.memory_space<semaphore_mem>> -> memref<!tpu.dma_semaphore, #tpu.memory_space<semaphore_mem>>
    %dma_wait3A_101 = arith.constant 0 : i32
    %dma_wait3A_102 = tpu.memref_slice %arg4[%mul3A_2, %dma_wait3A_101] : memref<819200x64xf32, #tpu.memory_space<hbm>> -> memref<128x64xf32, #tpu.memory_space<hbm>>
    %dma_wait3A_103 = arith.constant 0 : i32
    %dma_wait3A_104 = arith.constant 0 : i32
    %dma_wait3A_105 = tpu.memref_slice %arg7[%dma_wait3A_91, %dma_wait3A_103, %dma_wait3A_104] : memref<2x128x64xf32, #tpu.memory_space<vmem>> -> memref<1x128x64xf32, #tpu.memory_space<vmem>>
    %dma_wait3A_106 = tpu.memref_squeeze %dma_wait3A_105 : memref<1x128x64xf32, #tpu.memory_space<vmem>> -> memref<128x64xf32, #tpu.memory_space<vmem>>
    tpu.wait_dma2 semaphore(%dma_wait3A_100 : memref<!tpu.dma_semaphore, #tpu.memory_space<semaphore_mem>>) src(%dma_wait3A_106 : memref<128x64xf32, #tpu.memory_space<vmem>>) dst(%dma_wait3A_102 : memref<128x64xf32, #tpu.memory_space<hbm>>)
    return
  }
}

</mosaic_0001>

<sc_bundles>
// kernel: kernel.3.cloned.1.call-start
scs
__scs_entry_jumppad:
0x0: {  	(pc) =	sbr.rel $0x88, $3  }
0x1: {  	(tag) =	ssettag $0x0;
	lr =	simm.s32 $0x1  }
0x2: {  	[smem:$0x3F9F] =	sst lr;
	_ =	strace $0xD0000000  }
0x3: {  	_ = 	snop  }
0x4: {  	_ = 	snop  }
0x5: {  	_ = 	snop  }
0x6: {  	_ = 	snop  }
0x7: {  	_ = 	snop  }
__scs_overlays_trampoline_lowered:
0x8: {  	[smem:$0x3FAE] =	sst s0  }
0x9: {  	[smem:$0x3FAF] =	sst s1  }
0xa: {  	[smem:$0x3FB0] =	sst s2  }
0xb: {  	[smem:$0x3FB1] =	sst s3  }
0xc: {  	[smem:$0x3FB2] =	sst s4  }
0xd: {  	[smem:$0x3FB3] =	sst s5  }
0xe: {  	[smem:$0x3FB4] =	sst s6  }
0xf: {  	[smem:$0x3FB5] =	sst s7  }
0x10: {  	[smem:$0x3FB6] =	sst s8  }
0x11: {  	[smem:$0x3FB7] =	sst s9;
	s0 =	simm.s32 @!p0 $0x0  }
0x12: {  	s1 =	sld [smem:$0x3F9D];
	s0 =	simm.s32 @p0 $0x1  }
0x13: {  	[smem:$0x3FB8] =	sst s0;
	s0 =	simm.s32 @!p1 $0x0  }
0x14: {  	s2 =	sld [smem:$0x3F9C];
	s0 =	simm.s32 @p1 $0x1  }
0x15: {  	[smem:$0x3FB9] =	sst s0;
	s0 =	simm.s32 @!p2 $0x0  }
0x16: {  	s3 =	sld [smem:$0x3FDB];
	s0 =	simm.s32 @p2 $0x1  }
0x17: {  	s4 =	simm.s32 $0x1BF5;
	[smem:$0x3FBB] =	sst s0  }
0x18: {  	s0 =	sld [smem:$0x3F9E];
	_ =	swait.ge [sflag:s4], $0x0  }
0x19: {  	s7 =	sld [smem:$0x3F9F]  }
0x1a: {  	s8 =	sadd.s32 $0xFFFFE003, lr  }
0x1b: {  	s9 =	sadd.s32 $0xFFFFFEF7, lr;
	s5 =	simm.s32 $0xFFFFFFFF;
	p2 =	slt.u32 s8, $0xFFFFF086  }
0x1c: {  	p1 =	slt.u32 s9, $0xF7A;
	s5 =	simm.s32 @!p2 $0x0  }
0x1d: {  	s5 =	simm.s32 @p1 $0x1;
	p0 =	seq.s32 s7, s2  }
0x1e: {  	s7 =	smul.u32 @!p0 $0xF7A, s2;
	p2 =	seq.s32 @!p0 s5, $0x0  }
0x1f: {  	s9 =	smul.u32 $0xF7A, s1;
	s8 =	simm.s32 @!p0 $0x1BF5;
	p2 =	por !p2, p0  }
0x20: {  	[sflag:s8] =	ssyncset.s32 @!p0 $0xFFFFF086;
	s6 =	sadd.s32 @!p0 s3, s7;
	s7 =	simm.s32 @!p0 $0x108  }
0x21: {  	s3 =	sadd.s32 s3, s9;
	s6 =	sadd.s32 @!p0 $0x88, s6;
	s7 =	simm.s32 @p2 $0x1082  }
0x22: {  	[simem:s7], [sflag:s8] =	dma.local @!p0 [hbm:s6], $0xF7A  }
0x23: {  	s9 =	sor.u32 $0xD0000000, s2;
	s6 =	simm.s32 $0x108;
	_ =	swait.ge @!p0 [sflag:s8], $0x0  }
0x24: {  	s3 =	sadd.s32 $0x88, s3;
	s6 =	simm.s32 @!p1 $0x1082;
	[sflag:s4] =	ssyncset.s32 $0xFFFFF086  }
0x25: {  	[simem:s6], [sflag:s4] =	dma.local [hbm:s3], $0xF7A  }
0x26: {  	[smem:$0x3F9F] =	sst s1;
	(tag) =	ssettag s2;
	_ =	strace s9  }
0x27: {  	s1 =	sld [smem:$0x3FAF]  }
0x28: {  	s2 =	sld [smem:$0x3FB0]  }
0x29: {  	s4 =	sld [smem:$0x3FB2]  }
0x2a: {  	p0 =	seq.s32 s5, $0x0;
	s5 =	sld [smem:$0x3FB3]  }
0x2b: {  	s6 =	sld [smem:$0x3FB4]  }
0x2c: {  	s7 =	sld [smem:$0x3FB5]  }
0x2d: {  	s3 =	simm.s32 $0x108;
	s8 =	sld [smem:$0x3FB6]  }
0x2e: {  	s3 =	simm.s32 @!p0 $0x1082;
	s9 =	sld [smem:$0x3FB7]  }
0x2f: {  	lr =	sadd.s32 s0, s3;
	s0 =	sld [smem:$0x3FAE]  }
0x30: {  	s3 =	sld [smem:$0x3FB1]  }
0x31: {  	[smem:$0x3FBA] =	sst s10  }
0x32: {  	s10 =	sld [smem:$0x3FB8];
	_ =	sdelay $0x3  }
0x33: {  	p0 =	seq.s32 s10, $0x1;
	s10 =	sld [smem:$0x3FBA];
	_ =	sdelay $0x3  }
0x34: {  	[smem:$0x3FBA] =	sst s10  }
0x35: {  	s10 =	sld [smem:$0x3FB9];
	_ =	sdelay $0x3  }
0x36: {  	p1 =	seq.s32 s10, $0x1;
	s10 =	sld [smem:$0x3FBA];
	_ =	sdelay $0x3  }
0x37: {  	[smem:$0x3FBA] =	sst s10  }
0x38: {  	s10 =	sld [smem:$0x3FBB]  }
0x39: {  	_ = 	snop;
	(pc) =	sbr.ind lr, $3  }
0x3a: {  	_ = 	snop  }
0x3b: {  	_ = 	snop  }
0x3c: {  	p2 =	seq.s32 s10, $0x1;
	s10 =	sld [smem:$0x3FBA]  }
0x3d: {  	_ =	shalt  }
0x3e: {  	_ =	shalt  }
0x3f: {  	_ =	shalt  }
0x40: {  	_ =	shalt  }
0x41: {  	_ =	shalt  }
0x42: {  	_ =	shalt  }
0x43: {  	_ =	shalt  }
0x44: {  	_ =	shalt  }
0x45: {  	_ =	shalt  }
0x46: {  	_ =	shalt  }
0x47: {  	_ =	shalt  }
0x48: {  	_ =	shalt  }
0x49: {  	_ =	shalt  }
0x4a: {  	_ =	shalt  }
0x4b: {  	_ =	shalt  }
0x4c: {  	_ =	shalt  }
0x4d: {  	_ =	shalt  }
0x4e: {  	_ =	shalt  }
0x4f: {  	_ =	shalt  }
0x50: {  	_ =	shalt  }
0x51: {  	_ =	shalt  }
0x52: {  	_ =	shalt  }
0x53: {  	_ =	shalt  }
0x54: {  	_ =	shalt  }
0x55: {  	_ =	shalt  }
0x56: {  	_ =	shalt  }
0x57: {  	_ =	shalt  }
0x58: {  	_ =	shalt  }
0x59: {  	_ =	shalt  }
0x5a: {  	_ =	shalt  }
0x5b: {  	_ =	shalt  }
0x5c: {  	_ =	shalt  }
0x5d: {  	_ =	shalt  }
0x5e: {  	_ =	shalt  }
0x5f: {  	_ =	shalt  }
0x60: {  	_ =	shalt  }
0x61: {  	_ =	shalt  }
0x62: {  	_ =	shalt  }
0x63: {  	_ =	shalt  }
0x64: {  	_ =	shalt  }
0x65: {  	_ =	shalt  }
0x66: {  	_ =	shalt  }
0x67: {  	_ =	shalt  }
0x68: {  	_ =	shalt  }
0x69: {  	_ =	shalt  }
0x6a: {  	_ =	shalt  }
0x6b: {  	_ =	shalt  }
0x6c: {  	_ =	shalt  }
0x6d: {  	_ =	shalt  }
0x6e: {  	_ =	shalt  }
0x6f: {  	_ =	shalt  }
0x70: {  	_ =	shalt  }
0x71: {  	_ =	shalt  }
0x72: {  	_ =	shalt  }
0x73: {  	_ =	shalt  }
0x74: {  	_ =	shalt  }
0x75: {  	_ =	shalt  }
0x76: {  	_ =	shalt  }
0x77: {  	_ =	shalt  }
0x78: {  	_ =	shalt  }
0x79: {  	_ =	shalt  }
0x7a: {  	_ =	shalt  }
0x7b: {  	_ =	shalt  }
0x7c: {  	_ =	shalt  }
0x7d: {  	_ =	shalt  }
0x7e: {  	_ =	shalt  }
0x7f: {  	_ =	shalt  }
0x80: {  	_ =	shalt  }
0x81: {  	_ =	shalt  }
0x82: {  	_ =	shalt  }
0x83: {  	_ =	shalt  }
0x84: {  	_ =	shalt  }
0x85: {  	_ =	shalt  }
0x86: {  	_ =	shalt  }
0x87: {  	_ =	shalt  }
.Lfunc_end0:
.L_simem_size_0:
called_computation.1_lowered:
.L_overlay_start_0:
0x88: {  	s2 =	sld [smem:$0x3FD9]  }
0x89: {  	s3 =	sld [smem:$0x3FFE];
	_ =	sdelay $0x1  }
0x8a: {  	s1 =	srdreg.scid  }
0x8b: {  	s0 =	sand.u32 $0x1, s1  }
0x8c: {  	s17 =	sshll.u32 s0, $0xA;
	s2 =	sadd.s32 s3, s2  }
0x8d: {  	s2 =	sadd.s32 s2, s17  }
0x8e: {  	[smem:$0x3FC6] =	sst s2  }
0x8f: {  	_ = 	snop  }
0x90: {  	s2 =	sld [smem:$0x3FD0];
	(tm) =	ssettm $0x1  }
0x91: {  	s18 =	sld [smem:$0x3FFB];
	_ =	sdelay $0x3  }
0x92: {  	_ =	strace s18  }
0x93: {  	s3 =	sld [smem:$0x3FFC];
	_ =	sdelay $0x3  }
0x94: {  	_ =	strace s3  }
0x95: {  	s3 =	sld [smem:$0x3FFD];
	_ =	sdelay $0x3  }
0x96: {  	_ =	strace s3  }
0x97: {  	_ =	strace $0x8FFFFFFF  }
0x98: {  	s19 =	sld [smem:$0x3FDB];
	_ =	sdelay $0x1  }
0x99: {  	s4 =	simm.s32 $_scs_section_size  }
0x9a: {  	s5 =	simm.s32 $_size__tile_overlayer_lowered;
	s6 =	simm.s32 $_tile_overlayer_lowered  }
0x9b: {  	s22 =	simm.s32 $0x1BFF;
	s21 =	sshll.u32 s6, $0x1;
	s3 =	sadd.s32 s4, s19  }
0x9c: {  	s7 =	simm.s32 $0x0;
	s20 =	sshll.u32 s5, $0x1;
	s5 =	sadd.s32 s21, s3  }
0x9d: {  	[timem:s7], [sflag:s22] =	dma.local [hbm:s5], s20  }
0x9e: {  	_ =	swait.ge [sflag:s22], s20  }
0x9f: {  	s4 =	ssub.s32 $0x0, s20;
	[sflag:s22] =	ssyncset.done $0x0  }
0xa0: {  	[sflag:s22] =	ssyncadd.s32 s4;
	_ =	sdelay $0x1  }
0xa1: {  	s23 =	simm.s32 $0x1B8B  }
0xa2: {  	_ =	swait.ge [sflag:s23], $0x1  }
0xa3: {  	[sflag:s23] =	ssyncset.done $0x0  }
0xa4: {  	s25 =	simm.s32 $0x1B8E;
	s24 =	sld [smem:$0x3FFE];
	[sflag:s23] =	ssyncadd.s32 $0xFFFFFFFF  }
0xa5: {  	s26 =	simm.s32 $execute0_lowered;
	[smem:$0x3FD2] =	sst s25  }
0xa6: {  	s5 =	sshll.u32 s26, $0x1;
	_ =	strace $0x80000046;
	[dreg:$0x1] =	wrdreg $0xFFFFFFFF  }
0xa7: {  	s28 =	simm.s32 $_size_execute0_lowered;
	s3 =	sadd.s32 s3, s5;
	[dreg:$0x0] =	wrdreg $0x0  }
0xa8: {  	s5 =	sshll.u32 s28, $0x1;
	[dreg:$0x2] =	wrdreg s3  }
0xa9: {  	[dreg:$0x3] =	wrdreg s5  }
0xaa: {  	[dreg:$0x4] =	wrdreg $0xC0  }
0xab: {  	_ =	task [dreg:s7], $0x5FFFF  }
0xac: {  	[dreg:$0x1] =	wrdreg $0xFFFFFFFF  }
0xad: {  	[dreg:$0x0] =	wrdreg $0x60  }
0xae: {  	[dreg:$0x2] =	wrdreg s24  }
0xaf: {  	[dreg:$0x3] =	wrdreg s2  }
0xb0: {  	[dreg:$0x4] =	wrdreg $0x9  }
0xb1: {  	_ =	task.clear_ibuf [dreg:s7], $0x5FFFF;
	_ =	strace $0x90000046  }
0xb2: {  	s29 =	simm.s32 $0x9;
	_ =	strace $0x80000048  }
0xb3: {  	_ =	swait.ge [sflag:s29], $0x1  }
0xb4: {  	[sflag:s29] =	ssyncadd.s32 $0xFFFFFFFF  }
0xb5: {  	_ =	strace $0x90000048  }
0xb6: {  	_ =	sfence  }
0xb7: {  	s30 =	sld [smem:$0x0];
	_ =	sdelay $0x2  }
0xb8: {  	s31 =	sshll.u32 s1, $0xD;
	s1 =	sshrl.u32 s1, $0x2  }
0xb9: {  	s3 =	sand.u32 $0x4000, s31;
	s1 =	sadd.s32 s1, s30  }
0xba: {  	s0 =	sor.u32 s3, s0;
	s1 =	sshll.u32 s1, $0x11  }
0xbb: {  	s0 =	sor.u32 s1, s0  }
0xbc: {  	s0 =	sadd.s32 $0x8F2B, s0  }
0xbd: {  	[sflag:s0] =	ssyncadd.remote.s32 $0x1  }
0xbe: {  	_ =	sfence.sel $0xFFFF  }
0xbf: {  	[dreg:$0x0] =	wrdreg $0xFFFFFFFF;
	(pc) =	sbr.abs _section_cstart, $3  }
0xc0: {  	[dreg:$0x1] =	wrdreg $0xFFFFFFFF  }
0xc1: {  	_ =	task.clear_ibuf [dreg:s7], $0x2FFFF;
	_ =	strace $0x9FFFFFFF  }
0xc2: {  	(tm) =	ssettm $0x7FFFFFFF  }
0xc3: {  	_ =	shalt  }
tec
execute0_lowered:
.L_overlay_start_1:
0x0: {  	(tag) =	ssettag $0x1  }
0x1: {  	s0 =	rddreg [dreg:$0x0];
	s1 =	srdreg.scid  }
0x2: {  	s3 =	stileid.u32;
	s2 =	rddreg [dreg:$0x1]  }
0x3: {  	s17 =	simm.s32 $0x80;
	s21 =	simm.s32 $0x1;
	s23 =	simm.s32 $0x2  }
0x4: {  	s28 =	simm.s32 $0x4;
	s30 =	simm.s32 $0x5;
	s9 =	simm.s32 $0xC  }
0x5: {  	s10 =	simm.s32 $0x18400;
	s11 =	simm.s32 $0x8;
	s16 =	simm.s32 $0xB  }
0x6: {  	s22 =	simm.s32 $0xA;
	s19 =	simm.s32 $0x0;
	s1 =	sand.u32 $0x1, s1  }
0x7: {  	s4 =	sshll.u32 s3, $0x1;
	s3 =	simm.s32 $0x0;
	s5 =	sadd.s32 $0xF42E00, s0  }
0x8: {  	s6 =	sadd.s32 $0xA00, s0;
	s4 =	sor.u32 s1, s4;
	s1 =	ssub.s32 $0x2, s1  }
0x9: {  	s12 =	sadd.s32 $0x1200, s0;
	s4 =	smul.u32 $0x6400, s4;
	s7 =	sshrl.u32 s1, $0x1  }
0xa: {  	s13 =	sadd.s32 $0x1A00, s0;
	s14 =	sadd.s32 $0x2200, s0;
	s1 =	ssub.s32 s1, s7  }
0xb: {  	[smem:$0x7FF] =	sst s3;
	s8 =	sshrl.u32 s4, $0x3;
	s31 =	smax.u32 s1, $0x1  }
0xc: {  	_ =	strace $0x80000047;
	s25 =	sadd.s32 s2, s8;
	[dreg:$0x8] =	wrdreg s31  }
0xd: {  	s15 =	sadd.s32 $0x2A00, s0;
	s8 =	sadd.s32 $0x10, s25;
	[dreg:$0x3] =	wrdreg s25  }
0xe: {  	s0 =	simm.s32 $0x14400;
	s26 =	sadd.s32 $0x20, s25;
	[dreg:$0x4] =	wrdreg s8  }
0xf: {  	s1 =	simm.s32 $0x6;
	s29 =	sadd.s32 $0x30, s25;
	[dreg:$0x5] =	wrdreg s26  }
0x10: {  	s7 =	sadd.s32 $0x40, s25;
	s25 =	simm.s32 $0x3;
	[dreg:$0x6] =	wrdreg s29  }
0x11: {  	[dreg:$0x7] =	wrdreg s7;
	s8 =	simm.s32 $0x7;
	s7 =	simm.s32 $0x9  }
.LBB2_1:
0x12: {  	[dreg:$0x9] =	wrdreg s19  }
0x13: {  	s18 =	rddreg [dreg:$0x3]  }
0x14: {  	[tilespmem:s3], [sflag:$0x1] =	stream.linear.gather [hbm4b:s18+s3], $0x80, $0x38;
	[tilespmem:$0x1C400] =	vst v63  }
0x15: {  	s31 =	rddreg [dreg:$0x4]  }
0x16: {  	[tilespmem:s17], [sflag:$0x2] =	stream.linear.gather [hbm4b:s31+s3], $0x80, $0x38;
	[tilespmem:$0x1C400] =	vst v63  }
0x17: {  	s19 =	rddreg [dreg:$0x5];
	s20 =	simm.s32 $0x100  }
0x18: {  	[tilespmem:s20], [sflag:$0x3] =	stream.linear.gather [hbm4b:s19+s3], $0x80, $0x38;
	[tilespmem:$0x1C400] =	vst v63  }
0x19: {  	s24 =	rddreg [dreg:$0x6];
	s26 =	simm.s32 $0x180  }
0x1a: {  	[tilespmem:s26], [sflag:$0x4] =	stream.linear.gather [hbm4b:s24+s3], $0x80, $0x38;
	[tilespmem:$0x1C400] =	vst v63  }
0x1b: {  	s29 =	rddreg [dreg:$0x7];
	s18 =	simm.s32 $0x0;
	s31 =	simm.s32 $0x200  }
0x1c: {  	[tilespmem:s31], [sflag:$0x5] =	stream.linear.gather [hbm4b:s29+s3], $0x80, $0x38;
	[tilespmem:$0x1C400] =	vst v63  }
.LBB2_2:
0x1d: {  	_ =	swait.ge [sflag:s21], $0x80  }
0x1e: {  	[sflag:s21] =	ssyncset.done $0x0  }
0x1f: {  	s19 =	simm.s32 $0x400;
	[sflag:s21] =	ssyncadd.s32 $0xFFFFFF80  }
0x20: {  	[tilespmem:s19], [sflag:$0x6] =	stream.indirect.gather [hbm4b:s5+s17], $0x80, s3, s17, $0xb8;
	[tilespmem:$0x1C400] =	vst v63  }
0x21: {  	_ =	swait.ge [sflag:s23], $0x80  }
0x22: {  	[sflag:s23] =	ssyncset.done $0x0  }
0x23: {  	s20 =	simm.s32 $0x4400;
	[sflag:s23] =	ssyncadd.s32 $0xFFFFFF80  }
0x24: {  	[tilespmem:s20], [sflag:$0x7] =	stream.indirect.gather [hbm4b:s5+s17], $0x80, s17, s17, $0xb8;
	[tilespmem:$0x1C400] =	vst v63  }
0x25: {  	_ =	swait.ge [sflag:s25], $0x80  }
0x26: {  	[sflag:s25] =	ssyncset.done $0x0  }
0x27: {  	s24 =	simm.s32 $0x100;
	s20 =	simm.s32 $0x8400;
	[sflag:s25] =	ssyncadd.s32 $0xFFFFFF80  }
0x28: {  	[tilespmem:s20], [sflag:$0x8] =	stream.indirect.gather [hbm4b:s5+s17], $0x80, s24, s17, $0xb8;
	[tilespmem:$0x1C400] =	vst v63  }
0x29: {  	_ =	swait.ge [sflag:s28], $0x80  }
0x2a: {  	[sflag:s28] =	ssyncset.done $0x0  }
0x2b: {  	s26 =	simm.s32 $0x180;
	s31 =	simm.s32 $0xC400;
	[sflag:s28] =	ssyncadd.s32 $0xFFFFFF80  }
0x2c: {  	[tilespmem:s31], [sflag:$0x9] =	stream.indirect.gather [hbm4b:s5+s17], $0x80, s26, s17, $0xb8;
	[tilespmem:$0x1C400] =	vst v63  }
0x2d: {  	_ =	swait.ge [sflag:s30], $0x80  }
0x2e: {  	[sflag:s30] =	ssyncset.done $0x0  }
0x2f: {  	s24 =	simm.s32 $0x200;
	s26 =	simm.s32 $0x10400;
	[sflag:s30] =	ssyncadd.s32 $0xFFFFFF80  }
0x30: {  	[tilespmem:s26], [sflag:$0xA] =	stream.indirect.gather [hbm4b:s5+s17], $0x80, s24, s17, $0xb8;
	[tilespmem:$0x1C400] =	vst v63  }
0x31: {  	_ =	swait.ge [sflag:s1], $0x4000  }
0x32: {  	p0 =	seq.s32 s18, $0x0;
	[sflag:s1] =	ssyncset.done $0x0  }
0x33: {  	s19 =	simm.s32 @!p0 $0xB;
	[sflag:s1] =	ssyncadd.s32 $0xFFFFC000  }
0x34: {  	_ =	swait.ge @!p0 [sflag:s19], $0x4000  }
0x35: {  	[sflag:s19] =	ssyncset.done @!p0 $0x0  }
0x36: {  	s26 =	simm.s32 $0x0;
	[sflag:s19] =	ssyncadd.s32 @!p0 $0xFFFFC000  }
0x37: {  	v0 =	vld [tilespmem:s26+$0x430]  }
0x38: {  	s31 =	smul.u32 $0x280, s18;
	v1 =	vld [tilespmem:s26+$0x400]  }
0x39: {  	v2 =	vld [tilespmem:s26+$0x410]  }
0x3a: {  	s29 =	sadd.s32 s4, s31;
	s19 =	simm.s32 $0x200;
	v3 =	vld [tilespmem:s26+$0x420]  }
.LBB2_3:
0x3b: {  	p1 =	sne.s32 s19, $0xFE00  }
.Ltmp0:
0x3c: {  	s20 =	sshra.s32 s19, $0x2;
	s19 =	sadd.s32 $0x200, s19;
	[tilespmem:s26+$0x14430] =	vst v0;
	(pc) =	sbr.rel @p1 .LBB2_3-.Ltmp0, $4  }
0x3d: {  	v0 =	vld [tilespmem:s20+$0x430];
	[tilespmem:s26+$0x14400] =	vst v1  }
0x3e: {  	v1 =	vld [tilespmem:s20+$0x400];
	[tilespmem:s26+$0x14410] =	vst v2  }
0x3f: {  	v2 =	vld [tilespmem:s20+$0x410];
	[tilespmem:s26+$0x14420] =	vst v3;
	s26 =	smov.u32 s20  }
0x40: {  	v3 =	vld [tilespmem:s26+$0x420]  }
0x41: {  	p1 =	sne.s32 s18, $0x27  }
.Ltmp1:
0x42: {  	[tilespmem:s26+$0x14430] =	vst v0;
	(pc) =	sbr.rel @p1 .LBB2_6-.Ltmp1, $4  }
0x43: {  	[tilespmem:s26+$0x14400] =	vst v1  }
0x44: {  	s24 =	sshll.u32 s29, $0x4;
	[tilespmem:s26+$0x14410] =	vst v2  }
0x45: {  	s19 =	sadd.s32 s6, s24;
	[tilespmem:s26+$0x14420] =	vst v3  }
0x46: {  	[hbm4b:s19+s3] =	stream.linear.scatter [tilespmem:s0], [sflag:$0xB], $0x4000, $0x38;
	[tilespmem:$0x1C400] =	vst v63  }
.Ltmp2:
0x47: {  	(pc) =	sbr.rel .LBB2_7-.Ltmp2, $4  }
0x48: {  	_ = 	snop  }
0x49: {  	_ =	swait.ge [sflag:s8], $0x4000  }
0x4a: {  	[sflag:s8] =	ssyncset.done $0x0  }
0x4b: {  	[sflag:s8] =	ssyncadd.s32 $0xFFFFC000  }
.LBB2_6:
0x4c: {  	s19 =	sshrl.u32 s29, $0x3  }
0x4d: {  	s19 =	sadd.s32 s2, s19  }
.Ltmp3:
0x4e: {  	s19 =	sadd.s32 $0x50, s19;
	(pc) =	sbr.rel @p0 .LBB2_8-.Ltmp3, $4  }
0x4f: {  	[tilespmem:s3], [sflag:$0x1] =	stream.linear.gather [hbm4b:s19+s3], $0x80, $0x38;
	[tilespmem:$0x1C400] =	vst v63  }
0x50: {  	_ =	swait.ge [sflag:s8], $0x4000  }
0x51: {  	[sflag:s8] =	ssyncset.done $0x0  }
0x52: {  	[sflag:s8] =	ssyncadd.s32 $0xFFFFC000  }
.LBB2_7:
0x53: {  	_ =	swait.ge [sflag:s9], $0x4000  }
0x54: {  	[sflag:s9] =	ssyncset.done $0x0  }
0x55: {  	[sflag:s9] =	ssyncadd.s32 $0xFFFFC000  }
.LBB2_8:
0x56: {  	s19 =	simm.s32 $0x0  }
0x57: {  	v0 =	vld [tilespmem:s19+$0x4430]  }
0x58: {  	v1 =	vld [tilespmem:s19+$0x4400]  }
0x59: {  	v2 =	vld [tilespmem:s19+$0x4410]  }
0x5a: {  	s26 =	sadd.s32 $0x1, s18;
	s20 =	simm.s32 $0x200;
	v3 =	vld [tilespmem:s19+$0x4420]  }
.LBB2_9:
0x5b: {  	p0 =	sne.s32 s20, $0xFE00  }
.Ltmp4:
0x5c: {  	s31 =	sshra.s32 s20, $0x2;
	s20 =	sadd.s32 $0x200, s20;
	[tilespmem:s19+$0x18430] =	vst v0;
	(pc) =	sbr.rel @p0 .LBB2_9-.Ltmp4, $4  }
0x5d: {  	v0 =	vld [tilespmem:s31+$0x4430];
	[tilespmem:s19+$0x18400] =	vst v1  }
0x5e: {  	v1 =	vld [tilespmem:s31+$0x4400];
	[tilespmem:s19+$0x18410] =	vst v2  }
0x5f: {  	v2 =	vld [tilespmem:s31+$0x4410];
	[tilespmem:s19+$0x18420] =	vst v3;
	s19 =	smov.u32 s31  }
0x60: {  	v3 =	vld [tilespmem:s19+$0x4420]  }
0x61: {  	_ = 	snop  }
0x62: {  	[tilespmem:s19+$0x18430] =	vst v0  }
0x63: {  	p0 =	seq.s32 s18, $0x27;
	[tilespmem:s19+$0x18400] =	vst v1  }
0x64: {  	s18 =	sshrl.u32 @!p0 s29, $0x3;
	[tilespmem:s19+$0x18410] =	vst v2  }
0x65: {  	s31 =	sadd.s32 s24, s12;
	s18 =	sadd.s32 @!p0 s2, s18;
	[tilespmem:s19+$0x18420] =	vst v3  }
0x66: {  	[hbm4b:s31+s3] =	stream.linear.scatter [tilespmem:s10], [sflag:$0xC], $0x4000, $0x38;
	[tilespmem:$0x1C400] =	vst v63  }
0x67: {  	s20 =	simm.s32 @!p0 $0x0;
	s29 =	simm.s32 @!p0 $0x80;
	s19 =	sadd.s32 @!p0 $0x60, s18  }
0x68: {  	[tilespmem:s29], [sflag:$0x2] =	stream.linear.gather @!p0 [hbm4b:s19+s20], $0x80, $0x38;
	[tilespmem:$0x1C400] =	vst v63  }
0x69: {  	_ =	swait.ge [sflag:s11], $0x4000  }
0x6a: {  	[sflag:s11] =	ssyncset.done $0x0  }
0x6b: {  	[sflag:s11] =	ssyncadd.s32 $0xFFFFC000  }
0x6c: {  	_ =	swait.ge [sflag:s16], $0x4000  }
0x6d: {  	[sflag:s16] =	ssyncset.done $0x0  }
0x6e: {  	s19 =	simm.s32 $0x0;
	[sflag:s16] =	ssyncadd.s32 $0xFFFFC000  }
0x6f: {  	v0 =	vld [tilespmem:s19+$0x8430]  }
0x70: {  	v1 =	vld [tilespmem:s19+$0x8400]  }
0x71: {  	v2 =	vld [tilespmem:s19+$0x8410]  }
0x72: {  	s20 =	simm.s32 $0x200;
	v3 =	vld [tilespmem:s19+$0x8420]  }
.LBB2_11:
0x73: {  	p1 =	sne.s32 s20, $0xFE00  }
.Ltmp5:
0x74: {  	s29 =	sshra.s32 s20, $0x2;
	s20 =	sadd.s32 $0x200, s20;
	[tilespmem:s19+$0x14430] =	vst v0;
	(pc) =	sbr.rel @p1 .LBB2_11-.Ltmp5, $4  }
0x75: {  	v0 =	vld [tilespmem:s29+$0x8430];
	[tilespmem:s19+$0x14400] =	vst v1  }
0x76: {  	v1 =	vld [tilespmem:s29+$0x8400];
	[tilespmem:s19+$0x14410] =	vst v2  }
0x77: {  	v2 =	vld [tilespmem:s29+$0x8410];
	[tilespmem:s19+$0x14420] =	vst v3;
	s19 =	smov.u32 s29  }
0x78: {  	v3 =	vld [tilespmem:s19+$0x8420]  }
0x79: {  	_ = 	snop  }
0x7a: {  	[tilespmem:s19+$0x14430] =	vst v0  }
0x7b: {  	[tilespmem:s19+$0x14400] =	vst v1  }
0x7c: {  	[tilespmem:s19+$0x14410] =	vst v2  }
0x7d: {  	s31 =	sadd.s32 s24, s13;
	[tilespmem:s19+$0x14420] =	vst v3  }
0x7e: {  	[hbm4b:s31+s3] =	stream.linear.scatter [tilespmem:s0], [sflag:$0xB], $0x4000, $0x38;
	[tilespmem:$0x1C400] =	vst v63  }
0x7f: {  	s20 =	simm.s32 @!p0 $0x0;
	s29 =	simm.s32 @!p0 $0x100;
	s19 =	sadd.s32 @!p0 $0x70, s18  }
0x80: {  	[tilespmem:s29], [sflag:$0x3] =	stream.linear.gather @!p0 [hbm4b:s19+s20], $0x80, $0x38;
	[tilespmem:$0x1C400] =	vst v63  }
0x81: {  	_ =	swait.ge [sflag:s7], $0x4000  }
0x82: {  	[sflag:s7] =	ssyncset.done $0x0  }
0x83: {  	[sflag:s7] =	ssyncadd.s32 $0xFFFFC000  }
0x84: {  	_ =	swait.ge [sflag:s9], $0x4000  }
0x85: {  	[sflag:s9] =	ssyncset.done $0x0  }
0x86: {  	s19 =	simm.s32 $0x0;
	[sflag:s9] =	ssyncadd.s32 $0xFFFFC000  }
0x87: {  	v0 =	vld [tilespmem:s19+$0xC430]  }
0x88: {  	v1 =	vld [tilespmem:s19+$0xC400]  }
0x89: {  	v2 =	vld [tilespmem:s19+$0xC410]  }
0x8a: {  	s20 =	simm.s32 $0x200;
	v3 =	vld [tilespmem:s19+$0xC420]  }
.LBB2_13:
0x8b: {  	p1 =	sne.s32 s20, $0xFE00  }
.Ltmp6:
0x8c: {  	s29 =	sshra.s32 s20, $0x2;
	s20 =	sadd.s32 $0x200, s20;
	[tilespmem:s19+$0x18430] =	vst v0;
	(pc) =	sbr.rel @p1 .LBB2_13-.Ltmp6, $4  }
0x8d: {  	v0 =	vld [tilespmem:s29+$0xC430];
	[tilespmem:s19+$0x18400] =	vst v1  }
0x8e: {  	v1 =	vld [tilespmem:s29+$0xC400];
	[tilespmem:s19+$0x18410] =	vst v2  }
0x8f: {  	v2 =	vld [tilespmem:s29+$0xC410];
	[tilespmem:s19+$0x18420] =	vst v3;
	s19 =	smov.u32 s29  }
0x90: {  	v3 =	vld [tilespmem:s19+$0xC420]  }
0x91: {  	_ = 	snop  }
0x92: {  	[tilespmem:s19+$0x18430] =	vst v0  }
0x93: {  	[tilespmem:s19+$0x18400] =	vst v1  }
0x94: {  	[tilespmem:s19+$0x18410] =	vst v2  }
0x95: {  	s31 =	sadd.s32 s24, s14;
	[tilespmem:s19+$0x18420] =	vst v3  }
0x96: {  	[hbm4b:s31+s3] =	stream.linear.scatter [tilespmem:s10], [sflag:$0xC], $0x4000, $0x38;
	[tilespmem:$0x1C400] =	vst v63  }
0x97: {  	s20 =	simm.s32 @!p0 $0x0;
	s29 =	simm.s32 @!p0 $0x180;
	s19 =	sadd.s32 @!p0 $0x80, s18  }
0x98: {  	[tilespmem:s29], [sflag:$0x4] =	stream.linear.gather @!p0 [hbm4b:s19+s20], $0x80, $0x38;
	[tilespmem:$0x1C400] =	vst v63  }
0x99: {  	_ =	swait.ge [sflag:s22], $0x4000  }
0x9a: {  	[sflag:s22] =	ssyncset.done $0x0  }
0x9b: {  	[sflag:s22] =	ssyncadd.s32 $0xFFFFC000  }
0x9c: {  	_ =	swait.ge [sflag:s16], $0x4000  }
0x9d: {  	[sflag:s16] =	ssyncset.done $0x0  }
0x9e: {  	s19 =	simm.s32 $0x0;
	[sflag:s16] =	ssyncadd.s32 $0xFFFFC000  }
0x9f: {  	v0 =	vld [tilespmem:s19+$0x10430]  }
0xa0: {  	v1 =	vld [tilespmem:s19+$0x10400]  }
0xa1: {  	v2 =	vld [tilespmem:s19+$0x10410]  }
0xa2: {  	s20 =	simm.s32 $0x200;
	v3 =	vld [tilespmem:s19+$0x10420]  }
.LBB2_15:
0xa3: {  	p1 =	sne.s32 s20, $0xFE00  }
.Ltmp7:
0xa4: {  	s29 =	sshra.s32 s20, $0x2;
	s20 =	sadd.s32 $0x200, s20;
	[tilespmem:s19+$0x14430] =	vst v0;
	(pc) =	sbr.rel @p1 .LBB2_15-.Ltmp7, $4  }
0xa5: {  	v0 =	vld [tilespmem:s29+$0x10430];
	[tilespmem:s19+$0x14400] =	vst v1  }
0xa6: {  	v1 =	vld [tilespmem:s29+$0x10400];
	[tilespmem:s19+$0x14410] =	vst v2  }
0xa7: {  	v2 =	vld [tilespmem:s29+$0x10410];
	[tilespmem:s19+$0x14420] =	vst v3;
	s19 =	smov.u32 s29  }
0xa8: {  	v3 =	vld [tilespmem:s19+$0x10420]  }
0xa9: {  	_ = 	snop  }
0xaa: {  	[tilespmem:s19+$0x14430] =	vst v0  }
0xab: {  	[tilespmem:s19+$0x14400] =	vst v1  }
0xac: {  	[tilespmem:s19+$0x14410] =	vst v2  }
0xad: {  	s31 =	sadd.s32 s24, s15;
	s18 =	sadd.s32 @!p0 $0x90, s18;
	[tilespmem:s19+$0x14420] =	vst v3  }
0xae: {  	[hbm4b:s31+s3] =	stream.linear.scatter [tilespmem:s0], [sflag:$0xB], $0x4000, $0x38;
	[tilespmem:$0x1C400] =	vst v63  }
0xaf: {  	s20 =	simm.s32 @!p0 $0x200;
	p1 =	sne.s32 @!p0 s26, $0x28;
	s19 =	simm.s32 @!p0 $0x0  }
0xb0: {  	[tilespmem:s20], [sflag:$0x5] =	stream.linear.gather @!p0 [hbm4b:s18+s19], $0x80, $0x38;
	[tilespmem:$0x1C400] =	vst v63  }
0xb1: {  	p0 =	por p0, !p1  }
.Ltmp8:
0xb2: {  	_ = 	snop;
	(pc) =	sbr.rel @!p0 .LBB2_2-.Ltmp8, $2  }
0xb3: {  	_ =	sdelay $0x2  }
0xb4: {  	s18 =	smov.u32 s26  }
0xb5: {  	_ =	swait.ge [sflag:s16], $0x4000  }
0xb6: {  	[sflag:s16] =	ssyncset.done $0x0  }
0xb7: {  	[sflag:s16] =	ssyncadd.s32 $0xFFFFC000  }
0xb8: {  	_ =	swait.ge [sflag:s9], $0x4000  }
0xb9: {  	s19 =	rddreg [dreg:$0x9]  }
0xba: {  	s18 =	rddreg [dreg:$0x8];
	s19 =	sadd.s32 $0x1, s19  }
0xbb: {  	p0 =	sne.s32 s19, s18  }
.Ltmp9:
0xbc: {  	_ = 	snop;
	(pc) =	sbr.rel @p0 .LBB2_1-.Ltmp9, $3  }
0xbd: {  	_ =	sdelay $0x1  }
0xbe: {  	[sflag:s9] =	ssyncset.done $0x0  }
0xbf: {  	[sflag:s9] =	ssyncadd.s32 $0xFFFFC000  }
0xc0: {  	_ =	sfence.sel $0x180000  }
0xc1: {  	[bflag:$0x0] =	sbarrier.arrive $0xFFFF  }
0xc2: {  	_ =	strace $0x90000047  }
0xc3: {  	s0 =	stileid.u32;
	[bflag:$0x2] =	sbarrier.arrive $0xFFFF  }
0xc4: {  	p0 =	sne.s32 s0, $0x0;
	s0 =	rddreg [dreg:$0x2]  }
0xc5: {  	s0 =	sadd.s32 @!p0 $0x100000, s0  }
0xc6: {  	[sflag:s0] =	ssyncadd.tile.s32 @!p0 $0x1;
	_ =	shalt  }
.Lfunc_end2:
_tile_overlayer_lowered:
.L_overlay_start_2:
0xc7: {  	(tag) =	ssettag $0x2  }
0xc8: {  	s0 =	rddreg [dreg:$0x0];
	s2 =	stileid.u32  }
0xc9: {  	s1 =	rddreg [dreg:$0x1];
	p0 =	sne.s32 s2, $0x0  }
0xca: {  	s3 =	rddreg [dreg:$0x2];
	[bflag:$0x3] =	sbarrier.arrive $0xFFFF;
	s2 =	simm.s32 @!p0 $0x1C0D  }
0xcb: {  	[timem:s3], [sflag:s2] =	dma.local @!p0 [hbm:s0], s1  }
0xcc: {  	s0 =	simm.s32 @!p0 $0xD  }
0xcd: {  	_ =	swait.ge @!p0 [sflag:s0], s1  }
0xce: {  	s1 =	ssub.s32 @!p0 $0x0, s1;
	[sflag:s0] =	ssyncset.done @!p0 $0x0  }
0xcf: {  	[sflag:s0] =	ssyncadd.s32 @!p0 s1  }
0xd0: {  	[bflag:$0x3] =	sbarrier.arrive $0xFFFF  }
0xd1: {  	_ =	shalt  }

// kernel: sparse-core-data-format-call.cloned.1.call-start
scs
called_computation_lowered:
.L_overlay_start_0:
0x0: {  	s2 =	sld [smem:$0x3FD9]  }
0x1: {  	s3 =	sld [smem:$0x3FFE];
	_ =	sdelay $0x1  }
0x2: {  	s1 =	srdreg.scid  }
0x3: {  	s0 =	sand.u32 $0x1, s1  }
0x4: {  	s18 =	sshll.u32 s0, $0xA;
	s2 =	sadd.s32 s3, s2  }
0x5: {  	s2 =	sadd.s32 s2, s18  }
0x6: {  	[smem:$0x3FC6] =	sst s2  }
0x7: {  	_ = 	snop  }
0x8: {  	s2 =	sld [smem:$0x3FD0];
	(tm) =	ssettm $0x1  }
0x9: {  	s19 =	sld [smem:$0x3FFB];
	_ =	sdelay $0x3  }
0xa: {  	_ =	strace s19  }
0xb: {  	s3 =	sld [smem:$0x3FFC];
	_ =	sdelay $0x3  }
0xc: {  	_ =	strace s3  }
0xd: {  	s3 =	sld [smem:$0x3FFD];
	_ =	sdelay $0x3  }
0xe: {  	_ =	strace s3  }
0xf: {  	_ =	strace $0x8FFFFFFF  }
0x10: {  	s20 =	sld [smem:$0x3FDB];
	_ =	sdelay $0x1  }
0x11: {  	s4 =	simm.s32 $_scs_section_size  }
0x12: {  	s5 =	simm.s32 $_size__tile_overlayer_lowered;
	s6 =	simm.s32 $_tile_overlayer_lowered  }
0x13: {  	s23 =	simm.s32 $0x1BFF;
	s22 =	sshll.u32 s6, $0x1;
	s3 =	sadd.s32 s4, s20  }
0x14: {  	s7 =	simm.s32 $0x0;
	s21 =	sshll.u32 s5, $0x1;
	s5 =	sadd.s32 s22, s3  }
0x15: {  	[timem:s7], [sflag:s23] =	dma.local [hbm:s5], s21  }
0x16: {  	_ =	swait.ge [sflag:s23], s21  }
0x17: {  	s4 =	ssub.s32 $0x0, s21;
	[sflag:s23] =	ssyncset.done $0x0  }
0x18: {  	[sflag:s23] =	ssyncadd.s32 s4;
	_ =	sdelay $0x1  }
0x19: {  	s24 =	simm.s32 $0x1B8B  }
0x1a: {  	_ =	swait.ge [sflag:s24], $0x1  }
0x1b: {  	[sflag:s24] =	ssyncset.done $0x0  }
0x1c: {  	s26 =	simm.s32 $0x1B8E;
	s25 =	sld [smem:$0x3FFE];
	[sflag:s24] =	ssyncadd.s32 $0xFFFFFFFF  }
0x1d: {  	s27 =	simm.s32 $execute0_lowered;
	[smem:$0x3FD2] =	sst s26  }
0x1e: {  	s5 =	sshll.u32 s27, $0x1;
	_ =	strace $0x80000049;
	[dreg:$0x1] =	wrdreg $0xFFFFFFFF  }
0x1f: {  	s28 =	simm.s32 $_size_execute0_lowered;
	s3 =	sadd.s32 s3, s5;
	[dreg:$0x0] =	wrdreg $0x0  }
0x20: {  	s5 =	sshll.u32 s28, $0x1;
	[dreg:$0x2] =	wrdreg s3  }
0x21: {  	[dreg:$0x3] =	wrdreg s5  }
0x22: {  	[dreg:$0x4] =	wrdreg $0xC0  }
0x23: {  	_ =	task [dreg:s7], $0x5FFFF  }
0x24: {  	[dreg:$0x1] =	wrdreg $0xFFFFFFFF  }
0x25: {  	[dreg:$0x0] =	wrdreg $0x60  }
0x26: {  	[dreg:$0x2] =	wrdreg s25  }
0x27: {  	[dreg:$0x3] =	wrdreg s2  }
0x28: {  	[dreg:$0x4] =	wrdreg $0x9  }
0x29: {  	_ =	task.clear_ibuf [dreg:s7], $0x5FFFF;
	_ =	strace $0x90000049  }
0x2a: {  	s29 =	simm.s32 $0x9;
	_ =	strace $0x8000004B  }
0x2b: {  	_ =	swait.ge [sflag:s29], $0x1  }
0x2c: {  	[sflag:s29] =	ssyncadd.s32 $0xFFFFFFFF  }
0x2d: {  	_ =	strace $0x9000004B  }
0x2e: {  	_ =	sfence  }
0x2f: {  	s30 =	sld [smem:$0x0];
	_ =	sdelay $0x2  }
0x30: {  	s31 =	sshll.u32 s1, $0xD;
	s1 =	sshrl.u32 s1, $0x2  }
0x31: {  	s3 =	sand.u32 $0x4000, s31;
	s1 =	sadd.s32 s1, s30  }
0x32: {  	s0 =	sor.u32 s3, s0;
	s1 =	sshll.u32 s1, $0x11  }
0x33: {  	s0 =	sor.u32 s1, s0  }
0x34: {  	s0 =	sadd.s32 $0x8F2B, s0  }
0x35: {  	[sflag:s0] =	ssyncadd.remote.s32 $0x1  }
0x36: {  	_ =	sfence.sel $0xFFFF  }
0x37: {  	[dreg:$0x0] =	wrdreg $0xFFFFFFFF;
	(pc) =	sbr.abs _section_cstart, $3  }
0x38: {  	[dreg:$0x1] =	wrdreg $0xFFFFFFFF  }
0x39: {  	_ =	task.clear_ibuf [dreg:s7], $0x2FFFF;
	_ =	strace $0x9FFFFFFF  }
0x3a: {  	(tm) =	ssettm $0x7FFFFFFF  }
0x3b: {  	_ =	shalt  }
tec
execute0_lowered:
.L_overlay_start_1:
0x0: {  	(tag) =	ssettag $0x1  }
0x1: {  	s0 =	srdreg.scid  }
0x2: {  	s1 =	sshll.u32 s0, $0x4  }
0x3: {  	s0 =	stileid.u32;
	s1 =	sand.u32 $0x10, s1  }
0x4: {  	s1 =	sor.u32 s0, s1  }
0x5: {  	s6 =	rddreg [dreg:$0x0];
	s4 =	simm.s32 $0x1;
	s2 =	sshll.u32 s1, $0x7  }
0x6: {  	s7 =	simm.s32 $0x2;
	s12 =	simm.s32 $0x0;
	s1 =	ssub.s32 $0x1000, s2  }
0x7: {  	s8 =	simm.s32 $0x8000;
	s13 =	simm.s32 $0x0;
	s3 =	sand.u32 $0xF80, s1  }
0x8: {  	s9 =	simm.s32 $0x0;
	s5 =	sshrl.u32 s1, $0xC;
	p0 =	sne.s32 s3, $0x0  }
.Ltmp0:
0x9: {  	s1 =	rddreg [dreg:$0x2];
	s4 =	simm.s32 @!p0 $0x0;
	(pc) =	sbr.rel .LBB1_1-.Ltmp0, $4  }
0xa: {  	s11 =	simm.s32 $0x0;
	s3 =	rddreg [dreg:$0x1];
	s5 =	sadd.s32 s4, s5  }
0xb: {  	_ =	strace $0x8000004A;
	s4 =	simm.s32 $0x1;
	s5 =	smul.u32 $0xC8, s5  }
0xc: {  	s6 =	sadd.s32 $0xA00, s6;
	s10 =	smov.u32 s2;
	[sflag:s4] =	ssyncpa.u1 $0x0  }
0xd: {  	p0 =	por $0x0, $0x0;
	[sflag:s7] =	ssyncpa.u1 $0x0;
	s7 =	sor.u32 $0x1, s5  }
.LBB1_4:
0xe: {  	s16 =	sshll.u32 s13, $0x3;
	s17 =	sand.u32 $0x78, s13  }
0xf: {  	s30 =	sand.u32 $0x7E00, s13;
	s12 =	sshll.u32 s12, $0xF;
	s16 =	sand.u32 $0xC00, s16  }
0x10: {  	[tilespmem:s15+$0x810 ss:$0x81] =	vst.msk $0xffff, v2;
	s31 =	sand.u32 $0x7, s13;
	s16 =	sor.u32 s17, s16;
	s17 =	sadd.s32 s3, s30  }
0x11: {  	[tilespmem:s15+$0x1020 ss:$0x81] =	vst.msk $0xffff, v0;
	s13 =	sshll.u32 s31, $0x12;
	s12 =	sadd.s32 s12, s17;
	s16 =	sshrl.u32 s16, $0x3  }
0x12: {  	[tilespmem:s15+$0x0 ss:$0x81] =	vst.msk $0xffff, v1;
	s13 =	sor.u32 $0x400, s13;
	s12 =	sadd.s32 s16, s12  }
0x13: {  	[hbm4b:s12+s13] =	stream.strided.scatter [tilespmem:s14], [sflag:$0x2], $0x2000, s8, s13, $0x20;
	[tilespmem:$0x8080] =	vst v63  }
.LBB1_5:
0x14: {  	s14 =	sadd.s32 $0x1, s9  }
0x15: {  	s12 =	sadd.s32 $0x1000, s10;
	s16 =	smov.u32 s10;
	p2 =	sgt.s32 s14, $0xC7  }
0x16: {  	s16 =	smov.u32 @p2 s12  }
0x17: {  	s14 =	simm.s32 @p2 $0x0;
	p2 =	sgt.s32 s16, $0xFFF  }
0x18: {  	s16 =	smov.u32 @p2 s2;
	p2 =	sne.s32 s11, s7  }
.Ltmp1:
0x19: {  	p1 =	slt.u32 s11, $0x2;
	(pc) =	sbr.rel @!p2 .LBB1_6-.Ltmp1, $4  }
0x1a: {  	s15 =	simm.s32 @!p1 $0x2  }
0x1b: {  	s13 =	smov.u32 s10;
	p0 =	por !p0, !p0;
	_ =	swait.ge @!p1 [sflag:s15], $0x2000  }
0x1c: {  	s12 =	smov.u32 s9;
	[sflag:s15] =	ssyncset.done @!p1 $0x0;
	s9 =	smov.u32 s14  }
0x1d: {  	s11 =	sadd.s32 $0x1, s11;
	[sflag:s15] =	ssyncadd.s32 @!p1 $0xFFFFE000;
	s10 =	smov.u32 s16  }
.LBB1_1:
0x1e: {  	p1 =	sge.u32 s11, s5  }
0x1f: {  	s14 =	sand.u32 @!p1 $0x1FFFFFF, s9  }
0x20: {  	s15 =	smulhi.u32 @!p1 $0x147AE15, s14;
	_ =	sdelay $0x1  }
0x21: {  	s15 =	smul.u32 @!p1 $0xC8, s15  }
0x22: {  	s16 =	sxor.u32 @!p1 $0xFFFFFFFF, s11;
	s17 =	smul.u32 @!p1 $0xC80, s10  }
0x23: {  	s31 =	sadd.s32 $0xFFFFFFFF, s11;
	s16 =	sshll.u32 @!p1 s16, $0xD;
	s14 =	ssub.s32 @!p1 s14, s15  }
0x24: {  	s15 =	sand.u32 @!p1 $0x2000, s16;
	s16 =	sadd.s32 @!p1 s6, s17;
	s14 =	sshll.u32 @!p1 s14, $0x4  }
0x25: {  	s17 =	simm.s32 @!p1 $0x6400;
	s14 =	sadd.s32 @!p1 s14, s16;
	s16 =	simm.s32 @!p1 $0x40  }
0x26: {  	[tilespmem:s15], [sflag:$0x1] =	stream.strided.gather @!p1 [hbm4b:s14+s16], $0x2000, s17, s16, $0x38;
	[tilespmem:$0x8080] =	vst v63  }
0x27: {  	p1 =	sge.u32 s31, s5  }
.Ltmp2:
0x28: {  	_ = 	snop;
	(pc) =	sbr.rel @p1 .LBB1_5-.Ltmp2, $1  }
0x29: {  	_ =	sdelay $0x3  }
0x2a: {  	s14 =	simm.s32 $0x1  }
0x2b: {  	_ =	swait.ge [sflag:s4], $0x2000;
	s14 =	simm.s32 @!p0 $0x0  }
0x2c: {  	[sflag:s4] =	ssyncset.done $0x0;
	s15 =	sshll.u32 s14, $0xD  }
0x2d: {  	[sflag:s4] =	ssyncadd.s32 $0xFFFFE000;
	s18 =	sor.u32 $0x20, s15  }
0x2e: {  	s14 =	smul.u32 $0x8100, s14;
	v3 =	vld [tilespmem:s18+$0x10]  }
0x2f: {  	s30 =	sand.u32 $0x1, s11;
	v2 =	vld [tilespmem:s18+$0xFFFFFFF0]  }
0x30: {  	s15 =	smul.u32 $0x8100, s30;
	s14 =	sshrl.u32 s14, $0x2;
	v0 =	vld [tilespmem:s18+$0x0]  }
0x31: {  	v1 =	vld [tilespmem:s18+$0xFFFFFFE0];
	s16 =	sor.u32 $0x4000, s14  }
0x32: {  	s31 =	sshrl.u32 s15, $0x2;
	s15 =	sadd.s32 $0x0, s16  }
0x33: {  	s17 =	simm.s32 $0x4;
	s18 =	sadd.s32 $0x40, s18;
	s14 =	sor.u32 $0x4000, s31;
	[tilespmem:s15+$0x1830 ss:$0x81] =	vst.msk $0xffff, v3  }
.LBB1_3:
0x34: {  	v3 =	vld [tilespmem:s18+$0x10];
	p1 =	sne.s32 s17, $0x1FC;
	[tilespmem:s15+$0x810 ss:$0x81] =	vst.msk $0xffff, v2;
	s19 =	smov.u32 s17;
	s17 =	sadd.s32 $0x4, s17  }
.Ltmp3:
0x35: {  	v2 =	vld [tilespmem:s18+$0xFFFFFFF0];
	[tilespmem:s15+$0x1020 ss:$0x81] =	vst.msk $0xffff, v0;
	(pc) =	sbr.rel @p1 .LBB1_3-.Ltmp3, $4  }
0x36: {  	v0 =	vld [tilespmem:s18+$0x0];
	[tilespmem:s15+$0x0 ss:$0x81] =	vst.msk $0xffff, v1  }
0x37: {  	s15 =	sshra.s32 s19, $0x2;
	v1 =	vld [tilespmem:s18+$0xFFFFFFE0]  }
0x38: {  	s15 =	sadd.s32 s15, s16  }
0x39: {  	s18 =	sadd.s32 $0x40, s18;
	[tilespmem:s15+$0x1830 ss:$0x81] =	vst.msk $0xffff, v3  }
.Ltmp4:
0x3a: {  	_ = 	snop;
	(pc) =	sbr.rel .LBB1_4-.Ltmp4, $1  }
0x3b: {  	_ =	sdelay $0x3  }
.LBB1_6:
0x3c: {  	_ =	sfence.sel $0x180000  }
0x3d: {  	s2 =	simm.s32 $0x1;
	[bflag:$0x0] =	sbarrier.arrive $0xFFFF  }
0x3e: {  	s31 =	simm.s32 $0x2;
	[sflag:s2] =	ssyncpa.u1 $0x1  }
0x3f: {  	[sflag:s31] =	ssyncpa.u1 $0x1  }
0x40: {  	p0 =	sne.s32 s0, $0x0;
	_ =	strace $0x9000004A  }
0x41: {  	s0 =	sadd.s32 @!p0 $0x100000, s1;
	[bflag:$0x2] =	sbarrier.arrive $0xFFFF  }
0x42: {  	[sflag:s0] =	ssyncadd.tile.s32 @!p0 $0x1;
	_ =	shalt  }
.Lfunc_end1:
_tile_overlayer_lowered:
.L_overlay_start_2:
0x43: {  	(tag) =	ssettag $0x2  }
0x44: {  	s0 =	rddreg [dreg:$0x0];
	s2 =	stileid.u32  }
0x45: {  	s1 =	rddreg [dreg:$0x1];
	p0 =	sne.s32 s2, $0x0  }
0x46: {  	s3 =	rddreg [dreg:$0x2];
	[bflag:$0x3] =	sbarrier.arrive $0xFFFF;
	s2 =	simm.s32 @!p0 $0x1C01  }
0x47: {  	[timem:s3], [sflag:s2] =	dma.local @!p0 [hbm:s0], s1  }
0x48: {  	s0 =	simm.s32 @!p0 $0x1  }
0x49: {  	_ =	swait.ge @!p0 [sflag:s0], s1  }
0x4a: {  	s1 =	ssub.s32 @!p0 $0x0, s1;
	[sflag:s0] =	ssyncset.done @!p0 $0x0  }
0x4b: {  	[sflag:s0] =	ssyncadd.s32 @!p0 s1  }
0x4c: {  	[bflag:$0x3] =	sbarrier.arrive $0xFFFF  }
0x4d: {  	_ =	shalt  }

</sc_bundles>
